<compile_context>
chip_gen: v7x
topology: tpu7x:2x2x1
jax: 0.10.2.dev20260603
libtpu: 0.0.44.dev20260713+nightly
codegen_flags: <defaults>
</compile_context>

<pallas_src>
import functools

import jax
import jax.numpy as jnp
from jax import lax
from jax.experimental import pallas as pl
from jax.experimental.pallas import tpu as pltpu
from jax.experimental.pallas import tpu_sc as plsc

N = 10000
E = 320000
D = 128
H = 128
C = 40

NC = 2
NS = 16
NW = NC * NS
CH = 128
NCHUNKS = E // CH
CPT = NCHUNKS // NW
CREM = NCHUNKS - CPT * NW
N_ACC = 10240
ROWS_PER_TILE = N_ACC // NS
ZR = 128
BLK = 1000
BLK2 = 1024
GRID = N // BLK


def _seg_sum_sc(W_edge, edge_index):
    mesh = plsc.VectorSubcoreMesh(core_axis_name="c", subcore_axis_name="s")

    @functools.partial(
        pl.kernel,
        out_type=jax.ShapeDtypeStruct((NC, N_ACC, H), jnp.float32),
        mesh=mesh,
        scratch_types=[
            pltpu.VMEM((2, CH), jnp.int32),
            pltpu.VMEM((2, CH), jnp.int32),
            pltpu.VMEM((2, CH), jnp.int32),
            pltpu.VMEM((2, CH), jnp.int32),
            pltpu.VMEM((CH, H), jnp.float32),
            pltpu.VMEM((CH, H), jnp.float32),
            pltpu.VMEM_SHARED((N_ACC, H), jnp.float32),
            pltpu.SemaphoreType.DMA,
            pltpu.SemaphoreType.DMA,
            pltpu.SemaphoreType.DMA,
            pltpu.SemaphoreType.DMA,
            pltpu.SemaphoreType.DMA,
            pltpu.SemaphoreType.DMA,
        ],
    )
    def k(w_hbm, e_hbm, out_hbm, eidx0, eidx1, eidx2, eidx3, rows0, rows1,
          acc, seme0, seme1, seme2, seme3, semg0, semg1):
        c = lax.axis_index("c")
        s = lax.axis_index("s")
        eidx = (eidx0, eidx1, eidx2, eidx3)
        rows = (rows0, rows1)
        seme = (seme0, seme1, seme2, seme3)
        semg = (semg0, semg1)

        wid = c * NS + s
        cbase = wid * CPT + jnp.minimum(wid, CREM)
        nch = CPT + jnp.where(wid < CREM, 1, 0)

        pltpu.sync_copy(e_hbm.at[:, pl.ds(cbase * CH, CH)], eidx0)
        for b in range(1, 4):
            pltpu.async_copy(e_hbm.at[:, pl.ds((cbase + b) * CH, CH)],
                             eidx[b], seme[b])
        pltpu.async_copy(w_hbm.at[eidx0.at[0]], rows0, semg0)

        def zero_row(r, _):
            for j in range(H // 16):
                rows1[r, pl.ds(j * 16, 16)] = jnp.zeros((16,), jnp.float32)
            return 0

        lax.fori_loop(0, CH, zero_row, 0)
        for b in range(ROWS_PER_TILE // ZR):
            pltpu.async_copy(rows1, acc.at[pl.ds(s * ROWS_PER_TILE + b * ZR, ZR)],
                             semg1)
        for b in range(ROWS_PER_TILE // ZR):
            pltpu.make_async_copy(rows1, acc.at[pl.ds(0, ZR)], semg1).wait()
        plsc.subcore_barrier()

        def step(k_i, _):
            b4 = lax.rem(k_i, 4)
            for bb in range(4):
                rb = bb % 2

                @pl.when(b4 == bb)
                def _():
                    @pl.when(k_i + 1 < nch)
                    def _():
                        pltpu.make_async_copy(
                            e_hbm.at[:, pl.ds(0, CH)], eidx[(bb + 1) % 4],
                            seme[(bb + 1) % 4]).wait()
                        pltpu.async_copy(w_hbm.at[eidx[(bb + 1) % 4].at[0]],
                                         rows[1 - rb], semg[1 - rb])

                    pltpu.make_async_copy(w_hbm.at[pl.ds(0, CH)], rows[rb],
                                          semg[rb]).wait()
                    pltpu.sync_copy(rows[rb], acc.at[eidx[bb].at[1]], add=True)

                    @pl.when(k_i + 4 < nch)
                    def _():
                        pltpu.async_copy(
                            e_hbm.at[:, pl.ds((cbase + k_i + 4) * CH, CH)],
                            eidx[bb], seme[bb])
            return 0

        lax.fori_loop(0, nch, step, 0)
        plsc.subcore_barrier()
        pltpu.sync_copy(
            acc.at[pl.ds(s * ROWS_PER_TILE, ROWS_PER_TILE)],
            out_hbm.at[c, pl.ds(s * ROWS_PER_TILE, ROWS_PER_TILE)],
        )

    return k(W_edge, edge_index)


def _tc_x(x, wnt, w2t, bn, b2):
    def body(x_ref, wnt_ref, w2t_ref, bn_ref, b2_ref, o_ref):
        xh = jnp.dot(x_ref[...], wnt_ref[...], preferred_element_type=jnp.float32) + bn_ref[...]
        o_ref[...] = xh + jnp.dot(xh, w2t_ref[...], preferred_element_type=jnp.float32) + b2_ref[...]

    full = lambda i: (0, 0)
    return pl.pallas_call(
        body,
        grid=(GRID,),
        in_specs=[
            pl.BlockSpec((BLK, D), lambda i: (i, 0)),
            pl.BlockSpec((D, H), full),
            pl.BlockSpec((H, H), full),
            pl.BlockSpec((1, H), full),
            pl.BlockSpec((1, H), full),
        ],
        out_specs=pl.BlockSpec((BLK, H), lambda i: (i, 0)),
        out_shape=jax.ShapeDtypeStruct((N, H), jnp.float32),
    )(x, wnt, w2t, bn, b2)


def _tc_main(partials, xc, w1t, wf1t, be, b1, bf1, gamma2, beta2, wf2, bf2c):
    def body(p0_ref, p1_ref, xc_ref, w1t_ref, wf1t_ref, be_ref, b1_ref,
             bf1_ref, g_ref, bb_ref, wf2_ref, bf2_ref, o_ref, h_scr, st_scr):
        i = pl.program_id(0)

        @pl.when(i < GRID)
        def _():
            a = p0_ref[0] + p1_ref[0] + be_ref[...]
            a2 = a + jnp.dot(a, w1t_ref[...], preferred_element_type=jnp.float32) + b1_ref[...]
            out = jnp.maximum(a2 + xc_ref[...], 0.0)
            h1 = jnp.dot(out, wf1t_ref[...], preferred_element_type=jnp.float32) + bf1_ref[...]
            h1 = jnp.maximum(h1, 0.0)
            h_scr[pl.ds(i * BLK, BLK), :] = h1
            upd = jnp.concatenate(
                [jnp.sum(h1, axis=0, keepdims=True),
                 jnp.sum(h1 * h1, axis=0, keepdims=True),
                 jnp.zeros((6, H), jnp.float32)], axis=0)

            @pl.when(i == 0)
            def _():
                st_scr[...] = upd

            @pl.when(i > 0)
            def _():
                st_scr[...] = st_scr[...] + upd

        @pl.when(i == 0)
        def _():
            h_scr[pl.ds(N, N_ACC - N), :] = jnp.zeros((N_ACC - N, H), jnp.float32)

        @pl.when(i >= GRID)
        def _():
            j = i - GRID
            st = st_scr[...]
            mean = st[0:1, :] * (1.0 / N)
            var = st[1:2, :] * (1.0 / N) - mean * mean
            scale = lax.rsqrt(var + 1e-5) * g_ref[...]
            h1 = h_scr[pl.ds(j * BLK2, BLK2), :]
            hn = (h1 - mean) * scale + bb_ref[...]
            lt = lax.dot_general(wf2_ref[...], hn, (((1,), (1,)), ((), ())),
                                 preferred_element_type=jnp.float32)
            lt = lt + bf2_ref[...]
            m = jnp.max(lt, axis=0, keepdims=True)
            ex = jnp.exp(lt - m)
            lse = jnp.log(jnp.sum(ex, axis=0, keepdims=True))
            o_ref[...] = lt - m - lse

    full = lambda i: (0, 0)
    rowblk = lambda i: (jnp.minimum(i, GRID - 1), 0)
    return pl.pallas_call(
        body,
        grid=(2 * GRID,),
        in_specs=[
            pl.BlockSpec((1, BLK, H), lambda i: (0, jnp.minimum(i, GRID - 1), 0)),
            pl.BlockSpec((1, BLK, H), lambda i: (1, jnp.minimum(i, GRID - 1), 0)),
            pl.BlockSpec((BLK, H), rowblk),
            pl.BlockSpec((H, H), full),
            pl.BlockSpec((H, H), full),
            pl.BlockSpec((1, H), full),
            pl.BlockSpec((1, H), full),
            pl.BlockSpec((1, H), full),
            pl.BlockSpec((1, H), full),
            pl.BlockSpec((1, H), full),
            pl.BlockSpec((C, H), full),
            pl.BlockSpec((C, 1), full),
        ],
        out_specs=pl.BlockSpec((C, BLK2), lambda i: (0, jnp.maximum(i - GRID, 0))),
        out_shape=jax.ShapeDtypeStruct((C, N_ACC), jnp.float32),
        scratch_shapes=[
            pltpu.VMEM((N_ACC, H), jnp.float32),
            pltpu.VMEM((8, H), jnp.float32),
        ],
    )(partials, partials, xc, w1t, wf1t, be, b1, bf1, gamma2, beta2, wf2, bf2c)


def kernel(x, edge_index, W_edge, b_edge, W_node, b_node, W_cat1, b_cat1,
           W_cat2, b_cat2, W_f1, b_f1, gamma, beta, W_f2, b_f2):
    partials = _seg_sum_sc(W_edge, edge_index)
    xc = _tc_x(x, W_node.T, W_cat2.T, b_node.reshape(1, H), b_cat2.reshape(1, H))
    outT = _tc_main(
        partials, xc, W_cat1.T, W_f1.T,
        b_edge.reshape(1, H), b_cat1.reshape(1, H), b_f1.reshape(1, H),
        gamma.reshape(1, H), beta.reshape(1, H), W_f2, b_f2.reshape(C, 1),
    )
    return outT[:, :N].T

# --- scband reference (transcript-rebuilt; emitter-appended) ---
"""Pipeline reference for scband-linkx-90400471646628 (READ-ONLY COPY).

The authoritative reference and input builder live on the scoring server;
editing this copy changes nothing except your own understanding.
"""

import jax, jax.numpy as jnp
import numpy as np

N = 10000
E = 320000
D = 128
H = 128
C = 40


def setup_inputs(seed: int = 0) -> dict:
    key = jax.random.key(seed)
    ks = jax.random.split(key, 17)
    s_edge = 1.0 / np.sqrt(N)
    s_h = 1.0 / np.sqrt(H)
    s_d = 1.0 / np.sqrt(D)
    inp = {}
    inp["x"] = jax.random.normal(ks[0], (N, D), dtype=jnp.float32)
    inp["edge_index"] = jax.random.randint(ks[1], (2, E), 0, N, dtype=jnp.int32)
    # SparseLinear (edge_lin): weight [N, H], bias [H]
    inp["W_edge"] = jax.random.uniform(ks[2], (N, H), jnp.float32, -s_edge, s_edge)
    inp["b_edge"] = jax.random.uniform(ks[3], (H,), jnp.float32, -s_edge, s_edge)
    # node_mlp: single Linear(D, H)
    inp["W_node"] = jax.random.uniform(ks[4], (H, D), jnp.float32, -s_d, s_d)
    inp["b_node"] = jax.random.uniform(ks[5], (H,), jnp.float32, -s_d, s_d)
    # cat_lin1 / cat_lin2: Linear(H, H)
    inp["W_cat1"] = jax.random.uniform(ks[6], (H, H), jnp.float32, -s_h, s_h)
    inp["b_cat1"] = jax.random.uniform(ks[7], (H,), jnp.float32, -s_h, s_h)
    inp["W_cat2"] = jax.random.uniform(ks[8], (H, H), jnp.float32, -s_h, s_h)
    inp["b_cat2"] = jax.random.uniform(ks[9], (H,), jnp.float32, -s_h, s_h)
    # final_mlp: Linear(H, H) -> ReLU -> BatchNorm -> Linear(H, C)
    inp["W_f1"] = jax.random.uniform(ks[10], (H, H), jnp.float32, -s_h, s_h)
    inp["b_f1"] = jax.random.uniform(ks[11], (H,), jnp.float32, -s_h, s_h)
    inp["gamma"] = jnp.ones((H,), dtype=jnp.float32)
    inp["beta"] = jnp.zeros((H,), dtype=jnp.float32)
    inp["W_f2"] = jax.random.uniform(ks[12], (C, H), jnp.float32, -s_h, s_h)
    inp["b_f2"] = jax.random.uniform(ks[13], (C,), jnp.float32, -s_h, s_h)
    return inp


def reference(x, edge_index, W_edge, b_edge, W_node, b_node, W_cat1, b_cat1,
              W_cat2, b_cat2, W_f1, b_f1, gamma, beta, W_f2, b_f2):
    src = edge_index[0]
    dst = edge_index[1]
    # SparseLinear: out[dst] += W_edge[src]; i.e. A @ W_edge via gather + scatter-add
    msgs = jnp.take(W_edge, src, axis=0)
    out = jax.ops.segment_sum(msgs, dst, num_segments=N) + b_edge
    # num_edge_layers == 1 -> no edge_norm / edge_mlp
    out = out + (out @ W_cat1.T + b_cat1)
    xh = x @ W_node.T + b_node
    out = out + xh
    out = out + (xh @ W_cat2.T + b_cat2)
    out = jax.nn.relu(out)
    # final_mlp (act_first=True, batch_norm, dropout=0.0)
    h = out @ W_f1.T + b_f1
    h = jax.nn.relu(h)
    mean = jnp.mean(h, axis=0)
    var = jnp.var(h, axis=0)
    h = (h - mean) / jnp.sqrt(var + 1e-5) * gamma + beta
    h = h @ W_f2.T + b_f2
    return jax.nn.log_softmax(h, axis=1)

if __name__ == "__main__":
    import jax
    _d = setup_inputs()
    print(jax.jit(kernel)(*tuple(_d.values())))

</pallas_src>

<mosaic_0001>
#map = affine_map<(d0, d1) -> (0, 0)>
#map1 = affine_map<(d0, d1) -> (0, 0, 0)>
module attributes {stable_mosaic.version = 14 : i64} {
  func.func @k(%arg0: i32, %arg1: i32, %arg2: memref<10000x128xf32, #tpu.memory_space<hbm>>, %arg3: memref<2x320000xi32, #tpu.memory_space<hbm>>, %arg4: memref<2x10240x128xf32, #tpu.memory_space<hbm>>, %arg5: memref<2x128xi32, #tpu.memory_space<vmem>>, %arg6: memref<2x128xi32, #tpu.memory_space<vmem>>, %arg7: memref<2x128xi32, #tpu.memory_space<vmem>>, %arg8: memref<2x128xi32, #tpu.memory_space<vmem>>, %arg9: memref<128x128xf32, #tpu.memory_space<vmem>>, %arg10: memref<128x128xf32, #tpu.memory_space<vmem>>, %arg11: memref<10240x128xf32, #tpu.memory_space<vmem_shared>>, %arg12: memref<!tpu.dma_semaphore, #tpu.memory_space<semaphore_mem>>, %arg13: memref<!tpu.dma_semaphore, #tpu.memory_space<semaphore_mem>>, %arg14: memref<!tpu.dma_semaphore, #tpu.memory_space<semaphore_mem>>, %arg15: memref<!tpu.dma_semaphore, #tpu.memory_space<semaphore_mem>>, %arg16: memref<!tpu.dma_semaphore, #tpu.memory_space<semaphore_mem>>, %arg17: memref<!tpu.dma_semaphore, #tpu.memory_space<semaphore_mem>>) attributes {dimension_semantics = [#tpu.dimension_semantics<core_parallel>, #tpu.dimension_semantics<subcore_parallel>], iteration_bounds = array<i64: 2, 16>, scalar_prefetch = 0 : i64, scratch_operands = 13 : i64, tpu.core_type = #tpu.core_type<sc_vector_subcore>, window_params = [{transform_indices = #map}, {transform_indices = #map}, {transform_indices = #map1}]} {
    %mul3A = arith.constant 16 : i32
    %mul3A_0 = arith.muli %arg0, %mul3A : i32
    %add3A = arith.addi %mul3A_0, %arg1 : i32
    %mul3A_1 = arith.constant 78 : i32
    %mul3A_2 = arith.muli %add3A, %mul3A_1 : i32
    %min3A = arith.constant 4 : i32
    %min3A_3 = arith.minsi %add3A, %min3A : i32
    %add3A_4 = arith.addi %mul3A_2, %min3A_3 : i32
    %lt3A = arith.constant 4 : i32
    %lt3A_5 = arith.cmpi slt, %add3A, %lt3A : i32
    %jit3A = arith.constant 1 : i32
    %jit3A_6 = arith.constant 0 : i32
    %select_n3A = arith.select %lt3A_5, %jit3A, %jit3A_6 : i32
    %add3A_7 = arith.constant 78 : i32
    %add3A_8 = arith.addi %add3A_7, %select_n3A : i32
    %mul3A_9 = arith.constant 128 : i32
    %mul3A_10 = arith.muli %add3A_4, %mul3A_9 : i32
    "tpu.region"() ({
      %run_scoped3A = tpu.sem_alloc : memref<!tpu.dma_semaphore, #tpu.memory_space<semaphore_mem>>
      %dma_start3A_132 = arith.constant 0 : i32
      %dma_start3A_133 = tpu.memref_slice %arg3[%dma_start3A_132, %mul3A_10] : memref<2x320000xi32, #tpu.memory_space<hbm>> -> memref<2x128xi32, #tpu.memory_space<hbm>>
      %dma_start3A_134 = arith.constant 0 : i32
      %dma_start3A_135 = tpu.memref_slice %arg3[%dma_start3A_134, %mul3A_10] : memref<2x320000xi32, #tpu.memory_space<hbm>> -> memref<2x128xi32, #tpu.memory_space<hbm>>
      tpu.enqueue_dma source(%dma_start3A_135 : memref<2x128xi32, #tpu.memory_space<hbm>>) target(%arg5 : memref<2x128xi32, #tpu.memory_space<vmem>>) target_semaphore(%run_scoped3A : memref<!tpu.dma_semaphore, #tpu.memory_space<semaphore_mem>>)
      %dma_wait3A_136 = arith.constant 0 : i32
      %dma_wait3A_137 = tpu.memref_slice %arg3[%dma_wait3A_136, %mul3A_10] : memref<2x320000xi32, #tpu.memory_space<hbm>> -> memref<2x128xi32, #tpu.memory_space<hbm>>
      %dma_wait3A_138 = arith.constant 0 : i32
      %dma_wait3A_139 = tpu.memref_slice %arg3[%dma_wait3A_138, %mul3A_10] : memref<2x320000xi32, #tpu.memory_space<hbm>> -> memref<2x128xi32, #tpu.memory_space<hbm>>
      tpu.wait_dma2 semaphore(%run_scoped3A : memref<!tpu.dma_semaphore, #tpu.memory_space<semaphore_mem>>) src(%dma_wait3A_139 : memref<2x128xi32, #tpu.memory_space<hbm>>) dst(%arg5 : memref<2x128xi32, #tpu.memory_space<vmem>>)
      tpu.yield
    }) : () -> ()
    %add3A_11 = arith.constant 1 : i32
    %add3A_12 = arith.addi %add3A_4, %add3A_11 : i32
    %mul3A_13 = arith.constant 128 : i32
    %mul3A_14 = arith.muli %add3A_12, %mul3A_13 : i32
    %dma_start3A = arith.constant 0 : i32
    %dma_start3A_15 = tpu.memref_slice %arg3[%dma_start3A, %mul3A_14] : memref<2x320000xi32, #tpu.memory_space<hbm>> -> memref<2x128xi32, #tpu.memory_space<hbm>>
    %dma_start3A_16 = arith.constant 0 : i32
    %dma_start3A_17 = tpu.memref_slice %arg3[%dma_start3A_16, %mul3A_14] : memref<2x320000xi32, #tpu.memory_space<hbm>> -> memref<2x128xi32, #tpu.memory_space<hbm>>
    tpu.enqueue_dma source(%dma_start3A_17 : memref<2x128xi32, #tpu.memory_space<hbm>>) target(%arg6 : memref<2x128xi32, #tpu.memory_space<vmem>>) target_semaphore(%arg13 : memref<!tpu.dma_semaphore, #tpu.memory_space<semaphore_mem>>)
    %add3A_18 = arith.constant 2 : i32
    %add3A_19 = arith.addi %add3A_4, %add3A_18 : i32
    %mul3A_20 = arith.constant 128 : i32
    %mul3A_21 = arith.muli %add3A_19, %mul3A_20 : i32
    %dma_start3A_22 = arith.constant 0 : i32
    %dma_start3A_23 = tpu.memref_slice %arg3[%dma_start3A_22, %mul3A_21] : memref<2x320000xi32, #tpu.memory_space<hbm>> -> memref<2x128xi32, #tpu.memory_space<hbm>>
    %dma_start3A_24 = arith.constant 0 : i32
    %dma_start3A_25 = tpu.memref_slice %arg3[%dma_start3A_24, %mul3A_21] : memref<2x320000xi32, #tpu.memory_space<hbm>> -> memref<2x128xi32, #tpu.memory_space<hbm>>
    tpu.enqueue_dma source(%dma_start3A_25 : memref<2x128xi32, #tpu.memory_space<hbm>>) target(%arg7 : memref<2x128xi32, #tpu.memory_space<vmem>>) target_semaphore(%arg14 : memref<!tpu.dma_semaphore, #tpu.memory_space<semaphore_mem>>)
    %add3A_26 = arith.constant 3 : i32
    %add3A_27 = arith.addi %add3A_4, %add3A_26 : i32
    %mul3A_28 = arith.constant 128 : i32
    %mul3A_29 = arith.muli %add3A_27, %mul3A_28 : i32
    %dma_start3A_30 = arith.constant 0 : i32
    %dma_start3A_31 = tpu.memref_slice %arg3[%dma_start3A_30, %mul3A_29] : memref<2x320000xi32, #tpu.memory_space<hbm>> -> memref<2x128xi32, #tpu.memory_space<hbm>>
    %dma_start3A_32 = arith.constant 0 : i32
    %dma_start3A_33 = tpu.memref_slice %arg3[%dma_start3A_32, %mul3A_29] : memref<2x320000xi32, #tpu.memory_space<hbm>> -> memref<2x128xi32, #tpu.memory_space<hbm>>
    tpu.enqueue_dma source(%dma_start3A_33 : memref<2x128xi32, #tpu.memory_space<hbm>>) target(%arg8 : memref<2x128xi32, #tpu.memory_space<vmem>>) target_semaphore(%arg15 : memref<!tpu.dma_semaphore, #tpu.memory_space<semaphore_mem>>)
    %dma_start3A_34 = arith.constant 0 : i32
    %dma_start3A_35 = arith.constant 0 : i32
    %dma_start3A_36 = tpu.memref_slice %arg5[%dma_start3A_34, %dma_start3A_35] : memref<2x128xi32, #tpu.memory_space<vmem>> -> memref<1x128xi32, #tpu.memory_space<vmem>>
    %dma_start3A_37 = tpu.memref_squeeze %dma_start3A_36 : memref<1x128xi32, #tpu.memory_space<vmem>> -> memref<128xi32, #tpu.memory_space<vmem>>
    %dma_start3A_38 = arith.constant 0 : i32
    %dma_start3A_39 = arith.constant 0 : i32
    %dma_start3A_40 = tpu.memref_slice %arg2[%dma_start3A_38, %dma_start3A_39] : memref<10000x128xf32, #tpu.memory_space<hbm>> -> memref<10000x128xf32, #tpu.memory_space<hbm>>
    tpu.enqueue_indirect_dma source(%dma_start3A_40 : memref<10000x128xf32, #tpu.memory_space<hbm>>) target(%arg9 : memref<128x128xf32, #tpu.memory_space<vmem>>) offsets(%dma_start3A_37 : memref<128xi32, #tpu.memory_space<vmem>>) semaphore(%arg16 : memref<!tpu.dma_semaphore, #tpu.memory_space<semaphore_mem>>)
    %scan3A = arith.constant 0 : i32
    %scan3A_41 = arith.constant 0 : i32
    %scan3A_42 = arith.constant 128 : i32
    %scan3A_43 = arith.addi %scan3A_41, %scan3A_42 : i32
    %scan3A_44 = arith.constant 1 : i32
    %scan3A_45 = scf.for %scan3A_132 = %scan3A_41 to %scan3A_43 step %scan3A_44 iter_args(%scan3A_133 = %scan3A) -> (i32)  : i32 {
      %broadcast_in_dim3A = arith.constant 0.000000e+00 : f32
      %broadcast_in_dim3A_134 = vector.broadcast %broadcast_in_dim3A : f32 to vector<16xf32>
      %swap3A = arith.index_cast %scan3A_132 : i32 to index
      %swap3A_135 = arith.constant 0 : index
      %swap3A_136 = tpu.vector_load %arg10[%swap3A, %swap3A_135] {strides = array<i32>} : memref<128x128xf32, #tpu.memory_space<vmem>>, vector<1x16xf32>,
      %swap3A_137 = vector.shape_cast %swap3A_136 : vector<1x16xf32> to vector<16xf32>
      %swap3A_138 = vector.shape_cast %broadcast_in_dim3A_134 : vector<16xf32> to vector<1x16xf32>
      tpu.vector_store %arg10[%swap3A, %swap3A_135], %swap3A_138 {strides = array<i32>} : memref<128x128xf32, #tpu.memory_space<vmem>>, vector<1x16xf32>,
      %broadcast_in_dim3A_139 = arith.constant 0.000000e+00 : f32
      %broadcast_in_dim3A_140 = vector.broadcast %broadcast_in_dim3A_139 : f32 to vector<16xf32>
      %swap3A_141 = arith.index_cast %scan3A_132 : i32 to index
      %swap3A_142 = arith.constant 16 : index
      %swap3A_143 = tpu.vector_load %arg10[%swap3A_141, %swap3A_142] {strides = array<i32>} : memref<128x128xf32, #tpu.memory_space<vmem>>, vector<1x16xf32>,
      %swap3A_144 = vector.shape_cast %swap3A_143 : vector<1x16xf32> to vector<16xf32>
      %swap3A_145 = vector.shape_cast %broadcast_in_dim3A_140 : vector<16xf32> to vector<1x16xf32>
      tpu.vector_store %arg10[%swap3A_141, %swap3A_142], %swap3A_145 {strides = array<i32>} : memref<128x128xf32, #tpu.memory_space<vmem>>, vector<1x16xf32>,
      %broadcast_in_dim3A_146 = arith.constant 0.000000e+00 : f32
      %broadcast_in_dim3A_147 = vector.broadcast %broadcast_in_dim3A_146 : f32 to vector<16xf32>
      %swap3A_148 = arith.index_cast %scan3A_132 : i32 to index
      %swap3A_149 = arith.constant 32 : index
      %swap3A_150 = tpu.vector_load %arg10[%swap3A_148, %swap3A_149] {strides = array<i32>} : memref<128x128xf32, #tpu.memory_space<vmem>>, vector<1x16xf32>,
      %swap3A_151 = vector.shape_cast %swap3A_150 : vector<1x16xf32> to vector<16xf32>
      %swap3A_152 = vector.shape_cast %broadcast_in_dim3A_147 : vector<16xf32> to vector<1x16xf32>
      tpu.vector_store %arg10[%swap3A_148, %swap3A_149], %swap3A_152 {strides = array<i32>} : memref<128x128xf32, #tpu.memory_space<vmem>>, vector<1x16xf32>,
      %broadcast_in_dim3A_153 = arith.constant 0.000000e+00 : f32
      %broadcast_in_dim3A_154 = vector.broadcast %broadcast_in_dim3A_153 : f32 to vector<16xf32>
      %swap3A_155 = arith.index_cast %scan3A_132 : i32 to index
      %swap3A_156 = arith.constant 48 : index
      %swap3A_157 = tpu.vector_load %arg10[%swap3A_155, %swap3A_156] {strides = array<i32>} : memref<128x128xf32, #tpu.memory_space<vmem>>, vector<1x16xf32>,
      %swap3A_158 = vector.shape_cast %swap3A_157 : vector<1x16xf32> to vector<16xf32>
      %swap3A_159 = vector.shape_cast %broadcast_in_dim3A_154 : vector<16xf32> to vector<1x16xf32>
      tpu.vector_store %arg10[%swap3A_155, %swap3A_156], %swap3A_159 {strides = array<i32>} : memref<128x128xf32, #tpu.memory_space<vmem>>, vector<1x16xf32>,
      %broadcast_in_dim3A_160 = arith.constant 0.000000e+00 : f32
      %broadcast_in_dim3A_161 = vector.broadcast %broadcast_in_dim3A_160 : f32 to vector<16xf32>
      %swap3A_162 = arith.index_cast %scan3A_132 : i32 to index
      %swap3A_163 = arith.constant 64 : index
      %swap3A_164 = tpu.vector_load %arg10[%swap3A_162, %swap3A_163] {strides = array<i32>} : memref<128x128xf32, #tpu.memory_space<vmem>>, vector<1x16xf32>,
      %swap3A_165 = vector.shape_cast %swap3A_164 : vector<1x16xf32> to vector<16xf32>
      %swap3A_166 = vector.shape_cast %broadcast_in_dim3A_161 : vector<16xf32> to vector<1x16xf32>
      tpu.vector_store %arg10[%swap3A_162, %swap3A_163], %swap3A_166 {strides = array<i32>} : memref<128x128xf32, #tpu.memory_space<vmem>>, vector<1x16xf32>,
      %broadcast_in_dim3A_167 = arith.constant 0.000000e+00 : f32
      %broadcast_in_dim3A_168 = vector.broadcast %broadcast_in_dim3A_167 : f32 to vector<16xf32>
      %swap3A_169 = arith.index_cast %scan3A_132 : i32 to index
      %swap3A_170 = arith.constant 80 : index
      %swap3A_171 = tpu.vector_load %arg10[%swap3A_169, %swap3A_170] {strides = array<i32>} : memref<128x128xf32, #tpu.memory_space<vmem>>, vector<1x16xf32>,
      %swap3A_172 = vector.shape_cast %swap3A_171 : vector<1x16xf32> to vector<16xf32>
      %swap3A_173 = vector.shape_cast %broadcast_in_dim3A_168 : vector<16xf32> to vector<1x16xf32>
      tpu.vector_store %arg10[%swap3A_169, %swap3A_170], %swap3A_173 {strides = array<i32>} : memref<128x128xf32, #tpu.memory_space<vmem>>, vector<1x16xf32>,
      %broadcast_in_dim3A_174 = arith.constant 0.000000e+00 : f32
      %broadcast_in_dim3A_175 = vector.broadcast %broadcast_in_dim3A_174 : f32 to vector<16xf32>
      %swap3A_176 = arith.index_cast %scan3A_132 : i32 to index
      %swap3A_177 = arith.constant 96 : index
      %swap3A_178 = tpu.vector_load %arg10[%swap3A_176, %swap3A_177] {strides = array<i32>} : memref<128x128xf32, #tpu.memory_space<vmem>>, vector<1x16xf32>,
      %swap3A_179 = vector.shape_cast %swap3A_178 : vector<1x16xf32> to vector<16xf32>
      %swap3A_180 = vector.shape_cast %broadcast_in_dim3A_175 : vector<16xf32> to vector<1x16xf32>
      tpu.vector_store %arg10[%swap3A_176, %swap3A_177], %swap3A_180 {strides = array<i32>} : memref<128x128xf32, #tpu.memory_space<vmem>>, vector<1x16xf32>,
      %broadcast_in_dim3A_181 = arith.constant 0.000000e+00 : f32
      %broadcast_in_dim3A_182 = vector.broadcast %broadcast_in_dim3A_181 : f32 to vector<16xf32>
      %swap3A_183 = arith.index_cast %scan3A_132 : i32 to index
      %swap3A_184 = arith.constant 112 : index
      %swap3A_185 = tpu.vector_load %arg10[%swap3A_183, %swap3A_184] {strides = array<i32>} : memref<128x128xf32, #tpu.memory_space<vmem>>, vector<1x16xf32>,
      %swap3A_186 = vector.shape_cast %swap3A_185 : vector<1x16xf32> to vector<16xf32>
      %swap3A_187 = vector.shape_cast %broadcast_in_dim3A_182 : vector<16xf32> to vector<1x16xf32>
      tpu.vector_store %arg10[%swap3A_183, %swap3A_184], %swap3A_187 {strides = array<i32>} : memref<128x128xf32, #tpu.memory_space<vmem>>, vector<1x16xf32>,
      %scan3A_188 = arith.constant 0 : i32
      scf.yield %scan3A_188 : i32
    }
    %scan3A_46 = arith.constant 128 : i32
    %mul3A_47 = arith.constant 640 : i32
    %mul3A_48 = arith.muli %arg1, %mul3A_47 : i32
    %add3A_49 = arith.constant 0 : i32
    %add3A_50 = arith.addi %mul3A_48, %add3A_49 : i32
    %dma_start3A_51 = arith.constant 0 : i32
    %dma_start3A_52 = tpu.memref_slice %arg11[%add3A_50, %dma_start3A_51] : memref<10240x128xf32, #tpu.memory_space<vmem_shared>> -> memref<128x128xf32, #tpu.memory_space<vmem_shared>>
    %dma_start3A_53 = arith.constant 0 : i32
    %dma_start3A_54 = tpu.memref_slice %arg11[%add3A_50, %dma_start3A_53] : memref<10240x128xf32, #tpu.memory_space<vmem_shared>> -> memref<128x128xf32, #tpu.memory_space<vmem_shared>>
    tpu.enqueue_dma source(%arg10 : memref<128x128xf32, #tpu.memory_space<vmem>>) target(%dma_start3A_54 : memref<128x128xf32, #tpu.memory_space<vmem_shared>>) target_semaphore(%arg17 : memref<!tpu.dma_semaphore, #tpu.memory_space<semaphore_mem>>)
    %mul3A_55 = arith.constant 640 : i32
    %mul3A_56 = arith.muli %arg1, %mul3A_55 : i32
    %add3A_57 = arith.constant 128 : i32
    %add3A_58 = arith.addi %mul3A_56, %add3A_57 : i32
    %dma_start3A_59 = arith.constant 0 : i32
    %dma_start3A_60 = tpu.memref_slice %arg11[%add3A_58, %dma_start3A_59] : memref<10240x128xf32, #tpu.memory_space<vmem_shared>> -> memref<128x128xf32, #tpu.memory_space<vmem_shared>>
    %dma_start3A_61 = arith.constant 0 : i32
    %dma_start3A_62 = tpu.memref_slice %arg11[%add3A_58, %dma_start3A_61] : memref<10240x128xf32, #tpu.memory_space<vmem_shared>> -> memref<128x128xf32, #tpu.memory_space<vmem_shared>>
    tpu.enqueue_dma source(%arg10 : memref<128x128xf32, #tpu.memory_space<vmem>>) target(%dma_start3A_62 : memref<128x128xf32, #tpu.memory_space<vmem_shared>>) target_semaphore(%arg17 : memref<!tpu.dma_semaphore, #tpu.memory_space<semaphore_mem>>)
    %mul3A_63 = arith.constant 640 : i32
    %mul3A_64 = arith.muli %arg1, %mul3A_63 : i32
    %add3A_65 = arith.constant 256 : i32
    %add3A_66 = arith.addi %mul3A_64, %add3A_65 : i32
    %dma_start3A_67 = arith.constant 0 : i32
    %dma_start3A_68 = tpu.memref_slice %arg11[%add3A_66, %dma_start3A_67] : memref<10240x128xf32, #tpu.memory_space<vmem_shared>> -> memref<128x128xf32, #tpu.memory_space<vmem_shared>>
    %dma_start3A_69 = arith.constant 0 : i32
    %dma_start3A_70 = tpu.memref_slice %arg11[%add3A_66, %dma_start3A_69] : memref<10240x128xf32, #tpu.memory_space<vmem_shared>> -> memref<128x128xf32, #tpu.memory_space<vmem_shared>>
    tpu.enqueue_dma source(%arg10 : memref<128x128xf32, #tpu.memory_space<vmem>>) target(%dma_start3A_70 : memref<128x128xf32, #tpu.memory_space<vmem_shared>>) target_semaphore(%arg17 : memref<!tpu.dma_semaphore, #tpu.memory_space<semaphore_mem>>)
    %mul3A_71 = arith.constant 640 : i32
    %mul3A_72 = arith.muli %arg1, %mul3A_71 : i32
    %add3A_73 = arith.constant 384 : i32
    %add3A_74 = arith.addi %mul3A_72, %add3A_73 : i32
    %dma_start3A_75 = arith.constant 0 : i32
    %dma_start3A_76 = tpu.memref_slice %arg11[%add3A_74, %dma_start3A_75] : memref<10240x128xf32, #tpu.memory_space<vmem_shared>> -> memref<128x128xf32, #tpu.memory_space<vmem_shared>>
    %dma_start3A_77 = arith.constant 0 : i32
    %dma_start3A_78 = tpu.memref_slice %arg11[%add3A_74, %dma_start3A_77] : memref<10240x128xf32, #tpu.memory_space<vmem_shared>> -> memref<128x128xf32, #tpu.memory_space<vmem_shared>>
    tpu.enqueue_dma source(%arg10 : memref<128x128xf32, #tpu.memory_space<vmem>>) target(%dma_start3A_78 : memref<128x128xf32, #tpu.memory_space<vmem_shared>>) target_semaphore(%arg17 : memref<!tpu.dma_semaphore, #tpu.memory_space<semaphore_mem>>)
    %mul3A_79 = arith.constant 640 : i32
    %mul3A_80 = arith.muli %arg1, %mul3A_79 : i32
    %add3A_81 = arith.constant 512 : i32
    %add3A_82 = arith.addi %mul3A_80, %add3A_81 : i32
    %dma_start3A_83 = arith.constant 0 : i32
    %dma_start3A_84 = tpu.memref_slice %arg11[%add3A_82, %dma_start3A_83] : memref<10240x128xf32, #tpu.memory_space<vmem_shared>> -> memref<128x128xf32, #tpu.memory_space<vmem_shared>>
    %dma_start3A_85 = arith.constant 0 : i32
    %dma_start3A_86 = tpu.memref_slice %arg11[%add3A_82, %dma_start3A_85] : memref<10240x128xf32, #tpu.memory_space<vmem_shared>> -> memref<128x128xf32, #tpu.memory_space<vmem_shared>>
    tpu.enqueue_dma source(%arg10 : memref<128x128xf32, #tpu.memory_space<vmem>>) target(%dma_start3A_86 : memref<128x128xf32, #tpu.memory_space<vmem_shared>>) target_semaphore(%arg17 : memref<!tpu.dma_semaphore, #tpu.memory_space<semaphore_mem>>)
    %dma_wait3A = arith.constant 0 : i32
    %dma_wait3A_87 = arith.constant 0 : i32
    %dma_wait3A_88 = tpu.memref_slice %arg11[%dma_wait3A, %dma_wait3A_87] : memref<10240x128xf32, #tpu.memory_space<vmem_shared>> -> memref<128x128xf32, #tpu.memory_space<vmem_shared>>
    %dma_wait3A_89 = arith.constant 0 : i32
    %dma_wait3A_90 = arith.constant 0 : i32
    %dma_wait3A_91 = tpu.memref_slice %arg11[%dma_wait3A_89, %dma_wait3A_90] : memref<10240x128xf32, #tpu.memory_space<vmem_shared>> -> memref<128x128xf32, #tpu.memory_space<vmem_shared>>
    tpu.wait_dma2 semaphore(%arg17 : memref<!tpu.dma_semaphore, #tpu.memory_space<semaphore_mem>>) src(%arg10 : memref<128x128xf32, #tpu.memory_space<vmem>>) dst(%dma_wait3A_91 : memref<128x128xf32, #tpu.memory_space<vmem_shared>>)
    %dma_wait3A_92 = arith.constant 0 : i32
    %dma_wait3A_93 = arith.constant 0 : i32
    %dma_wait3A_94 = tpu.memref_slice %arg11[%dma_wait3A_92, %dma_wait3A_93] : memref<10240x128xf32, #tpu.memory_space<vmem_shared>> -> memref<128x128xf32, #tpu.memory_space<vmem_shared>>
    %dma_wait3A_95 = arith.constant 0 : i32
    %dma_wait3A_96 = arith.constant 0 : i32
    %dma_wait3A_97 = tpu.memref_slice %arg11[%dma_wait3A_95, %dma_wait3A_96] : memref<10240x128xf32, #tpu.memory_space<vmem_shared>> -> memref<128x128xf32, #tpu.memory_space<vmem_shared>>
    tpu.wait_dma2 semaphore(%arg17 : memref<!tpu.dma_semaphore, #tpu.memory_space<semaphore_mem>>) src(%arg10 : memref<128x128xf32, #tpu.memory_space<vmem>>) dst(%dma_wait3A_97 : memref<128x128xf32, #tpu.memory_space<vmem_shared>>)
    %dma_wait3A_98 = arith.constant 0 : i32
    %dma_wait3A_99 = arith.constant 0 : i32
    %dma_wait3A_100 = tpu.memref_slice %arg11[%dma_wait3A_98, %dma_wait3A_99] : memref<10240x128xf32, #tpu.memory_space<vmem_shared>> -> memref<128x128xf32, #tpu.memory_space<vmem_shared>>
    %dma_wait3A_101 = arith.constant 0 : i32
    %dma_wait3A_102 = arith.constant 0 : i32
    %dma_wait3A_103 = tpu.memref_slice %arg11[%dma_wait3A_101, %dma_wait3A_102] : memref<10240x128xf32, #tpu.memory_space<vmem_shared>> -> memref<128x128xf32, #tpu.memory_space<vmem_shared>>
    tpu.wait_dma2 semaphore(%arg17 : memref<!tpu.dma_semaphore, #tpu.memory_space<semaphore_mem>>) src(%arg10 : memref<128x128xf32, #tpu.memory_space<vmem>>) dst(%dma_wait3A_103 : memref<128x128xf32, #tpu.memory_space<vmem_shared>>)
    %dma_wait3A_104 = arith.constant 0 : i32
    %dma_wait3A_105 = arith.constant 0 : i32
    %dma_wait3A_106 = tpu.memref_slice %arg11[%dma_wait3A_104, %dma_wait3A_105] : memref<10240x128xf32, #tpu.memory_space<vmem_shared>> -> memref<128x128xf32, #tpu.memory_space<vmem_shared>>
    %dma_wait3A_107 = arith.constant 0 : i32
    %dma_wait3A_108 = arith.constant 0 : i32
    %dma_wait3A_109 = tpu.memref_slice %arg11[%dma_wait3A_107, %dma_wait3A_108] : memref<10240x128xf32, #tpu.memory_space<vmem_shared>> -> memref<128x128xf32, #tpu.memory_space<vmem_shared>>
    tpu.wait_dma2 semaphore(%arg17 : memref<!tpu.dma_semaphore, #tpu.memory_space<semaphore_mem>>) src(%arg10 : memref<128x128xf32, #tpu.memory_space<vmem>>) dst(%dma_wait3A_109 : memref<128x128xf32, #tpu.memory_space<vmem_shared>>)
    %dma_wait3A_110 = arith.constant 0 : i32
    %dma_wait3A_111 = arith.constant 0 : i32
    %dma_wait3A_112 = tpu.memref_slice %arg11[%dma_wait3A_110, %dma_wait3A_111] : memref<10240x128xf32, #tpu.memory_space<vmem_shared>> -> memref<128x128xf32, #tpu.memory_space<vmem_shared>>
    %dma_wait3A_113 = arith.constant 0 : i32
    %dma_wait3A_114 = arith.constant 0 : i32
    %dma_wait3A_115 = tpu.memref_slice %arg11[%dma_wait3A_113, %dma_wait3A_114] : memref<10240x128xf32, #tpu.memory_space<vmem_shared>> -> memref<128x128xf32, #tpu.memory_space<vmem_shared>>
    tpu.wait_dma2 semaphore(%arg17 : memref<!tpu.dma_semaphore, #tpu.memory_space<semaphore_mem>>) src(%arg10 : memref<128x128xf32, #tpu.memory_space<vmem>>) dst(%dma_wait3A_115 : memref<128x128xf32, #tpu.memory_space<vmem_shared>>)
    %barrier3A = arith.constant 0 : index
    tpu.barrier barrier_id(%barrier3A)
    %while3A = arith.constant 0 : i32
    %while3A_116 = arith.constant 0 : i32
    %while3A_117 = arith.subi %add3A_8, %while3A : i32
    %while3A_118 = arith.addi %while3A, %while3A_117 : i32
    %while3A_119 = arith.constant 1 : i32
    %while3A_120 = arith.divsi %while3A_117, %while3A_119 : i32
    %while3A_121 = arith.muli %while3A_120, %while3A_119 : i32
    %while3A_122 = arith.addi %while3A, %while3A_121 : i32
    %while3A_123 = arith.constant 1 : i32
    %while3A_124 = scf.for %while3A_132 = %while3A to %while3A_122 step %while3A_123 iter_args(%while3A_133 = %while3A_116) -> (i32)  : i32 {
      %rem3A = arith.constant 4 : i32
      %rem3A_134 = arith.remsi %while3A_132, %rem3A : i32
      %eq3A = arith.constant 0 : i32
      %eq3A_135 = arith.cmpi eq, %rem3A_134, %eq3A : i32
      %convert_element_type3A = arith.extui %eq3A_135 : i1 to i32
      %cond3A = arith.constant 0 : i32
      %cond3A_136 = arith.cmpi ne, %convert_element_type3A, %cond3A : i32
      scf.if %cond3A_136 {
        %add3A_153 = arith.constant 1 : i32
        %add3A_154 = arith.addi %while3A_132, %add3A_153 : i32
        %lt3A_155 = arith.cmpi slt, %add3A_154, %add3A_8 : i32
        %convert_element_type3A_156 = arith.extui %lt3A_155 : i1 to i32
        %cond3A_157 = arith.constant 0 : i32
        %cond3A_158 = arith.cmpi ne, %convert_element_type3A_156, %cond3A_157 : i32
        scf.if %cond3A_158 {
          %dma_wait3A_171 = arith.constant 0 : i32
          %dma_wait3A_172 = arith.constant 0 : i32
          %dma_wait3A_173 = tpu.memref_slice %arg3[%dma_wait3A_171, %dma_wait3A_172] : memref<2x320000xi32, #tpu.memory_space<hbm>> -> memref<2x128xi32, #tpu.memory_space<hbm>>
          %dma_wait3A_174 = arith.constant 0 : i32
          %dma_wait3A_175 = arith.constant 0 : i32
          %dma_wait3A_176 = tpu.memref_slice %arg3[%dma_wait3A_174, %dma_wait3A_175] : memref<2x320000xi32, #tpu.memory_space<hbm>> -> memref<2x128xi32, #tpu.memory_space<hbm>>
          tpu.wait_dma2 semaphore(%arg13 : memref<!tpu.dma_semaphore, #tpu.memory_space<semaphore_mem>>) src(%dma_wait3A_176 : memref<2x128xi32, #tpu.memory_space<hbm>>) dst(%arg6 : memref<2x128xi32, #tpu.memory_space<vmem>>)
          %dma_start3A_177 = arith.constant 0 : i32
          %dma_start3A_178 = arith.constant 0 : i32
          %dma_start3A_179 = tpu.memref_slice %arg6[%dma_start3A_177, %dma_start3A_178] : memref<2x128xi32, #tpu.memory_space<vmem>> -> memref<1x128xi32, #tpu.memory_space<vmem>>
          %dma_start3A_180 = tpu.memref_squeeze %dma_start3A_179 : memref<1x128xi32, #tpu.memory_space<vmem>> -> memref<128xi32, #tpu.memory_space<vmem>>
          %dma_start3A_181 = arith.constant 0 : i32
          %dma_start3A_182 = arith.constant 0 : i32
          %dma_start3A_183 = tpu.memref_slice %arg2[%dma_start3A_181, %dma_start3A_182] : memref<10000x128xf32, #tpu.memory_space<hbm>> -> memref<10000x128xf32, #tpu.memory_space<hbm>>
          tpu.enqueue_indirect_dma source(%dma_start3A_183 : memref<10000x128xf32, #tpu.memory_space<hbm>>) target(%arg10 : memref<128x128xf32, #tpu.memory_space<vmem>>) offsets(%dma_start3A_180 : memref<128xi32, #tpu.memory_space<vmem>>) semaphore(%arg17 : memref<!tpu.dma_semaphore, #tpu.memory_space<semaphore_mem>>)
        } else {
        }
        %dma_wait3A_159 = arith.constant 0 : i32
        %dma_wait3A_160 = arith.constant 0 : i32
        %dma_wait3A_161 = tpu.memref_slice %arg2[%dma_wait3A_159, %dma_wait3A_160] : memref<10000x128xf32, #tpu.memory_space<hbm>> -> memref<128x128xf32, #tpu.memory_space<hbm>>
        %dma_wait3A_162 = arith.constant 0 : i32
        %dma_wait3A_163 = arith.constant 0 : i32
        %dma_wait3A_164 = tpu.memref_slice %arg2[%dma_wait3A_162, %dma_wait3A_163] : memref<10000x128xf32, #tpu.memory_space<hbm>> -> memref<128x128xf32, #tpu.memory_space<hbm>>
        tpu.wait_dma2 semaphore(%arg16 : memref<!tpu.dma_semaphore, #tpu.memory_space<semaphore_mem>>) src(%dma_wait3A_164 : memref<128x128xf32, #tpu.memory_space<hbm>>) dst(%arg9 : memref<128x128xf32, #tpu.memory_space<vmem>>)
        %run_scoped3A = arith.constant 1 : i32
        "tpu.region"() ({
          %run_scoped3A_171 = tpu.sem_alloc : memref<!tpu.dma_semaphore, #tpu.memory_space<semaphore_mem>>
          %dma_start3A_172 = arith.constant 0 : i32
          %dma_start3A_173 = tpu.memref_slice %arg5[%run_scoped3A, %dma_start3A_172] : memref<2x128xi32, #tpu.memory_space<vmem>> -> memref<1x128xi32, #tpu.memory_space<vmem>>
          %dma_start3A_174 = tpu.memref_squeeze %dma_start3A_173 : memref<1x128xi32, #tpu.memory_space<vmem>> -> memref<128xi32, #tpu.memory_space<vmem>>
          %dma_start3A_175 = arith.constant 0 : i32
          %dma_start3A_176 = arith.constant 0 : i32
          %dma_start3A_177 = tpu.memref_slice %arg11[%dma_start3A_175, %dma_start3A_176] : memref<10240x128xf32, #tpu.memory_space<vmem_shared>> -> memref<10240x128xf32, #tpu.memory_space<vmem_shared>>
          tpu.enqueue_indirect_dma source(%arg9 : memref<128x128xf32, #tpu.memory_space<vmem>>) target(%dma_start3A_177 : memref<10240x128xf32, #tpu.memory_space<vmem_shared>>) offsets(%dma_start3A_174 : memref<128xi32, #tpu.memory_space<vmem>>) semaphore(%run_scoped3A_171 : memref<!tpu.dma_semaphore, #tpu.memory_space<semaphore_mem>>) {add = true}
          %dma_wait3A_178 = arith.constant 0 : i32
          %dma_wait3A_179 = tpu.memref_slice %arg5[%run_scoped3A, %dma_wait3A_178] : memref<2x128xi32, #tpu.memory_space<vmem>> -> memref<1x128xi32, #tpu.memory_space<vmem>>
          %dma_wait3A_180 = tpu.memref_squeeze %dma_wait3A_179 : memref<1x128xi32, #tpu.memory_space<vmem>> -> memref<128xi32, #tpu.memory_space<vmem>>
          %dma_wait3A_181 = arith.constant 0 : i32
          %dma_wait3A_182 = arith.constant 0 : i32
          %dma_wait3A_183 = tpu.memref_slice %arg11[%dma_wait3A_181, %dma_wait3A_182] : memref<10240x128xf32, #tpu.memory_space<vmem_shared>> -> memref<10240x128xf32, #tpu.memory_space<vmem_shared>>
          tpu.wait_indirect_dma semaphore(%run_scoped3A_171 : memref<!tpu.dma_semaphore, #tpu.memory_space<semaphore_mem>>) src(%arg9 : memref<128x128xf32, #tpu.memory_space<vmem>>) dst(%dma_wait3A_183 : memref<10240x128xf32, #tpu.memory_space<vmem_shared>>)
          tpu.yield
        }) : () -> ()
        %add3A_165 = arith.constant 4 : i32
        %add3A_166 = arith.addi %while3A_132, %add3A_165 : i32
        %lt3A_167 = arith.cmpi slt, %add3A_166, %add3A_8 : i32
        %convert_element_type3A_168 = arith.extui %lt3A_167 : i1 to i32
        %cond3A_169 = arith.constant 0 : i32
        %cond3A_170 = arith.cmpi ne, %convert_element_type3A_168, %cond3A_169 : i32
        scf.if %cond3A_170 {
          %add3A_171 = arith.addi %add3A_4, %while3A_132 : i32
          %add3A_172 = arith.constant 4 : i32
          %add3A_173 = arith.addi %add3A_171, %add3A_172 : i32
          %mul3A_174 = arith.constant 128 : i32
          %mul3A_175 = arith.muli %add3A_173, %mul3A_174 : i32
          %dma_start3A_176 = arith.constant 0 : i32
          %dma_start3A_177 = tpu.memref_slice %arg3[%dma_start3A_176, %mul3A_175] : memref<2x320000xi32, #tpu.memory_space<hbm>> -> memref<2x128xi32, #tpu.memory_space<hbm>>
          %dma_start3A_178 = arith.constant 0 : i32
          %dma_start3A_179 = tpu.memref_slice %arg3[%dma_start3A_178, %mul3A_175] : memref<2x320000xi32, #tpu.memory_space<hbm>> -> memref<2x128xi32, #tpu.memory_space<hbm>>
          tpu.enqueue_dma source(%dma_start3A_179 : memref<2x128xi32, #tpu.memory_space<hbm>>) target(%arg5 : memref<2x128xi32, #tpu.memory_space<vmem>>) target_semaphore(%arg12 : memref<!tpu.dma_semaphore, #tpu.memory_space<semaphore_mem>>)
        } else {
        }
      } else {
      }
      %eq3A_137 = arith.constant 1 : i32
      %eq3A_138 = arith.cmpi eq, %rem3A_134, %eq3A_137 : i32
      %convert_element_type3A_139 = arith.extui %eq3A_138 : i1 to i32
      %cond3A_140 = arith.constant 0 : i32
      %cond3A_141 = arith.cmpi ne, %convert_element_type3A_139, %cond3A_140 : i32
      scf.if %cond3A_141 {
        %add3A_153 = arith.constant 1 : i32
        %add3A_154 = arith.addi %while3A_132, %add3A_153 : i32
        %lt3A_155 = arith.cmpi slt, %add3A_154, %add3A_8 : i32
        %convert_element_type3A_156 = arith.extui %lt3A_155 : i1 to i32
        %cond3A_157 = arith.constant 0 : i32
        %cond3A_158 = arith.cmpi ne, %convert_element_type3A_156, %cond3A_157 : i32
        scf.if %cond3A_158 {
          %dma_wait3A_171 = arith.constant 0 : i32
          %dma_wait3A_172 = arith.constant 0 : i32
          %dma_wait3A_173 = tpu.memref_slice %arg3[%dma_wait3A_171, %dma_wait3A_172] : memref<2x320000xi32, #tpu.memory_space<hbm>> -> memref<2x128xi32, #tpu.memory_space<hbm>>
          %dma_wait3A_174 = arith.constant 0 : i32
          %dma_wait3A_175 = arith.constant 0 : i32
          %dma_wait3A_176 = tpu.memref_slice %arg3[%dma_wait3A_174, %dma_wait3A_175] : memref<2x320000xi32, #tpu.memory_space<hbm>> -> memref<2x128xi32, #tpu.memory_space<hbm>>
          tpu.wait_dma2 semaphore(%arg14 : memref<!tpu.dma_semaphore, #tpu.memory_space<semaphore_mem>>) src(%dma_wait3A_176 : memref<2x128xi32, #tpu.memory_space<hbm>>) dst(%arg7 : memref<2x128xi32, #tpu.memory_space<vmem>>)
          %dma_start3A_177 = arith.constant 0 : i32
          %dma_start3A_178 = arith.constant 0 : i32
          %dma_start3A_179 = tpu.memref_slice %arg7[%dma_start3A_177, %dma_start3A_178] : memref<2x128xi32, #tpu.memory_space<vmem>> -> memref<1x128xi32, #tpu.memory_space<vmem>>
          %dma_start3A_180 = tpu.memref_squeeze %dma_start3A_179 : memref<1x128xi32, #tpu.memory_space<vmem>> -> memref<128xi32, #tpu.memory_space<vmem>>
          %dma_start3A_181 = arith.constant 0 : i32
          %dma_start3A_182 = arith.constant 0 : i32
          %dma_start3A_183 = tpu.memref_slice %arg2[%dma_start3A_181, %dma_start3A_182] : memref<10000x128xf32, #tpu.memory_space<hbm>> -> memref<10000x128xf32, #tpu.memory_space<hbm>>
          tpu.enqueue_indirect_dma source(%dma_start3A_183 : memref<10000x128xf32, #tpu.memory_space<hbm>>) target(%arg9 : memref<128x128xf32, #tpu.memory_space<vmem>>) offsets(%dma_start3A_180 : memref<128xi32, #tpu.memory_space<vmem>>) semaphore(%arg16 : memref<!tpu.dma_semaphore, #tpu.memory_space<semaphore_mem>>)
        } else {
        }
        %dma_wait3A_159 = arith.constant 0 : i32
        %dma_wait3A_160 = arith.constant 0 : i32
        %dma_wait3A_161 = tpu.memref_slice %arg2[%dma_wait3A_159, %dma_wait3A_160] : memref<10000x128xf32, #tpu.memory_space<hbm>> -> memref<128x128xf32, #tpu.memory_space<hbm>>
        %dma_wait3A_162 = arith.constant 0 : i32
        %dma_wait3A_163 = arith.constant 0 : i32
        %dma_wait3A_164 = tpu.memref_slice %arg2[%dma_wait3A_162, %dma_wait3A_163] : memref<10000x128xf32, #tpu.memory_space<hbm>> -> memref<128x128xf32, #tpu.memory_space<hbm>>
        tpu.wait_dma2 semaphore(%arg17 : memref<!tpu.dma_semaphore, #tpu.memory_space<semaphore_mem>>) src(%dma_wait3A_164 : memref<128x128xf32, #tpu.memory_space<hbm>>) dst(%arg10 : memref<128x128xf32, #tpu.memory_space<vmem>>)
        %run_scoped3A = arith.constant 1 : i32
        "tpu.region"() ({
          %run_scoped3A_171 = tpu.sem_alloc : memref<!tpu.dma_semaphore, #tpu.memory_space<semaphore_mem>>
          %dma_start3A_172 = arith.constant 0 : i32
          %dma_start3A_173 = tpu.memref_slice %arg6[%run_scoped3A, %dma_start3A_172] : memref<2x128xi32, #tpu.memory_space<vmem>> -> memref<1x128xi32, #tpu.memory_space<vmem>>
          %dma_start3A_174 = tpu.memref_squeeze %dma_start3A_173 : memref<1x128xi32, #tpu.memory_space<vmem>> -> memref<128xi32, #tpu.memory_space<vmem>>
          %dma_start3A_175 = arith.constant 0 : i32
          %dma_start3A_176 = arith.constant 0 : i32
          %dma_start3A_177 = tpu.memref_slice %arg11[%dma_start3A_175, %dma_start3A_176] : memref<10240x128xf32, #tpu.memory_space<vmem_shared>> -> memref<10240x128xf32, #tpu.memory_space<vmem_shared>>
          tpu.enqueue_indirect_dma source(%arg10 : memref<128x128xf32, #tpu.memory_space<vmem>>) target(%dma_start3A_177 : memref<10240x128xf32, #tpu.memory_space<vmem_shared>>) offsets(%dma_start3A_174 : memref<128xi32, #tpu.memory_space<vmem>>) semaphore(%run_scoped3A_171 : memref<!tpu.dma_semaphore, #tpu.memory_space<semaphore_mem>>) {add = true}
          %dma_wait3A_178 = arith.constant 0 : i32
          %dma_wait3A_179 = tpu.memref_slice %arg6[%run_scoped3A, %dma_wait3A_178] : memref<2x128xi32, #tpu.memory_space<vmem>> -> memref<1x128xi32, #tpu.memory_space<vmem>>
          %dma_wait3A_180 = tpu.memref_squeeze %dma_wait3A_179 : memref<1x128xi32, #tpu.memory_space<vmem>> -> memref<128xi32, #tpu.memory_space<vmem>>
          %dma_wait3A_181 = arith.constant 0 : i32
          %dma_wait3A_182 = arith.constant 0 : i32
          %dma_wait3A_183 = tpu.memref_slice %arg11[%dma_wait3A_181, %dma_wait3A_182] : memref<10240x128xf32, #tpu.memory_space<vmem_shared>> -> memref<10240x128xf32, #tpu.memory_space<vmem_shared>>
          tpu.wait_indirect_dma semaphore(%run_scoped3A_171 : memref<!tpu.dma_semaphore, #tpu.memory_space<semaphore_mem>>) src(%arg10 : memref<128x128xf32, #tpu.memory_space<vmem>>) dst(%dma_wait3A_183 : memref<10240x128xf32, #tpu.memory_space<vmem_shared>>)
          tpu.yield
        }) : () -> ()
        %add3A_165 = arith.constant 4 : i32
        %add3A_166 = arith.addi %while3A_132, %add3A_165 : i32
        %lt3A_167 = arith.cmpi slt, %add3A_166, %add3A_8 : i32
        %convert_element_type3A_168 = arith.extui %lt3A_167 : i1 to i32
        %cond3A_169 = arith.constant 0 : i32
        %cond3A_170 = arith.cmpi ne, %convert_element_type3A_168, %cond3A_169 : i32
        scf.if %cond3A_170 {
          %add3A_171 = arith.addi %add3A_4, %while3A_132 : i32
          %add3A_172 = arith.constant 4 : i32
          %add3A_173 = arith.addi %add3A_171, %add3A_172 : i32
          %mul3A_174 = arith.constant 128 : i32
          %mul3A_175 = arith.muli %add3A_173, %mul3A_174 : i32
          %dma_start3A_176 = arith.constant 0 : i32
          %dma_start3A_177 = tpu.memref_slice %arg3[%dma_start3A_176, %mul3A_175] : memref<2x320000xi32, #tpu.memory_space<hbm>> -> memref<2x128xi32, #tpu.memory_space<hbm>>
          %dma_start3A_178 = arith.constant 0 : i32
          %dma_start3A_179 = tpu.memref_slice %arg3[%dma_start3A_178, %mul3A_175] : memref<2x320000xi32, #tpu.memory_space<hbm>> -> memref<2x128xi32, #tpu.memory_space<hbm>>
          tpu.enqueue_dma source(%dma_start3A_179 : memref<2x128xi32, #tpu.memory_space<hbm>>) target(%arg6 : memref<2x128xi32, #tpu.memory_space<vmem>>) target_semaphore(%arg13 : memref<!tpu.dma_semaphore, #tpu.memory_space<semaphore_mem>>)
        } else {
        }
      } else {
      }
      %eq3A_142 = arith.constant 2 : i32
      %eq3A_143 = arith.cmpi eq, %rem3A_134, %eq3A_142 : i32
      %convert_element_type3A_144 = arith.extui %eq3A_143 : i1 to i32
      %cond3A_145 = arith.constant 0 : i32
      %cond3A_146 = arith.cmpi ne, %convert_element_type3A_144, %cond3A_145 : i32
      scf.if %cond3A_146 {
        %add3A_153 = arith.constant 1 : i32
        %add3A_154 = arith.addi %while3A_132, %add3A_153 : i32
        %lt3A_155 = arith.cmpi slt, %add3A_154, %add3A_8 : i32
        %convert_element_type3A_156 = arith.extui %lt3A_155 : i1 to i32
        %cond3A_157 = arith.constant 0 : i32
        %cond3A_158 = arith.cmpi ne, %convert_element_type3A_156, %cond3A_157 : i32
        scf.if %cond3A_158 {
          %dma_wait3A_171 = arith.constant 0 : i32
          %dma_wait3A_172 = arith.constant 0 : i32
          %dma_wait3A_173 = tpu.memref_slice %arg3[%dma_wait3A_171, %dma_wait3A_172] : memref<2x320000xi32, #tpu.memory_space<hbm>> -> memref<2x128xi32, #tpu.memory_space<hbm>>
          %dma_wait3A_174 = arith.constant 0 : i32
          %dma_wait3A_175 = arith.constant 0 : i32
          %dma_wait3A_176 = tpu.memref_slice %arg3[%dma_wait3A_174, %dma_wait3A_175] : memref<2x320000xi32, #tpu.memory_space<hbm>> -> memref<2x128xi32, #tpu.memory_space<hbm>>
          tpu.wait_dma2 semaphore(%arg15 : memref<!tpu.dma_semaphore, #tpu.memory_space<semaphore_mem>>) src(%dma_wait3A_176 : memref<2x128xi32, #tpu.memory_space<hbm>>) dst(%arg8 : memref<2x128xi32, #tpu.memory_space<vmem>>)
          %dma_start3A_177 = arith.constant 0 : i32
          %dma_start3A_178 = arith.constant 0 : i32
          %dma_start3A_179 = tpu.memref_slice %arg8[%dma_start3A_177, %dma_start3A_178] : memref<2x128xi32, #tpu.memory_space<vmem>> -> memref<1x128xi32, #tpu.memory_space<vmem>>
          %dma_start3A_180 = tpu.memref_squeeze %dma_start3A_179 : memref<1x128xi32, #tpu.memory_space<vmem>> -> memref<128xi32, #tpu.memory_space<vmem>>
          %dma_start3A_181 = arith.constant 0 : i32
          %dma_start3A_182 = arith.constant 0 : i32
          %dma_start3A_183 = tpu.memref_slice %arg2[%dma_start3A_181, %dma_start3A_182] : memref<10000x128xf32, #tpu.memory_space<hbm>> -> memref<10000x128xf32, #tpu.memory_space<hbm>>
          tpu.enqueue_indirect_dma source(%dma_start3A_183 : memref<10000x128xf32, #tpu.memory_space<hbm>>) target(%arg10 : memref<128x128xf32, #tpu.memory_space<vmem>>) offsets(%dma_start3A_180 : memref<128xi32, #tpu.memory_space<vmem>>) semaphore(%arg17 : memref<!tpu.dma_semaphore, #tpu.memory_space<semaphore_mem>>)
        } else {
        }
        %dma_wait3A_159 = arith.constant 0 : i32
        %dma_wait3A_160 = arith.constant 0 : i32
        %dma_wait3A_161 = tpu.memref_slice %arg2[%dma_wait3A_159, %dma_wait3A_160] : memref<10000x128xf32, #tpu.memory_space<hbm>> -> memref<128x128xf32, #tpu.memory_space<hbm>>
        %dma_wait3A_162 = arith.constant 0 : i32
        %dma_wait3A_163 = arith.constant 0 : i32
        %dma_wait3A_164 = tpu.memref_slice %arg2[%dma_wait3A_162, %dma_wait3A_163] : memref<10000x128xf32, #tpu.memory_space<hbm>> -> memref<128x128xf32, #tpu.memory_space<hbm>>
        tpu.wait_dma2 semaphore(%arg16 : memref<!tpu.dma_semaphore, #tpu.memory_space<semaphore_mem>>) src(%dma_wait3A_164 : memref<128x128xf32, #tpu.memory_space<hbm>>) dst(%arg9 : memref<128x128xf32, #tpu.memory_space<vmem>>)
        %run_scoped3A = arith.constant 1 : i32
        "tpu.region"() ({
          %run_scoped3A_171 = tpu.sem_alloc : memref<!tpu.dma_semaphore, #tpu.memory_space<semaphore_mem>>
          %dma_start3A_172 = arith.constant 0 : i32
          %dma_start3A_173 = tpu.memref_slice %arg7[%run_scoped3A, %dma_start3A_172] : memref<2x128xi32, #tpu.memory_space<vmem>> -> memref<1x128xi32, #tpu.memory_space<vmem>>
          %dma_start3A_174 = tpu.memref_squeeze %dma_start3A_173 : memref<1x128xi32, #tpu.memory_space<vmem>> -> memref<128xi32, #tpu.memory_space<vmem>>
          %dma_start3A_175 = arith.constant 0 : i32
          %dma_start3A_176 = arith.constant 0 : i32
          %dma_start3A_177 = tpu.memref_slice %arg11[%dma_start3A_175, %dma_start3A_176] : memref<10240x128xf32, #tpu.memory_space<vmem_shared>> -> memref<10240x128xf32, #tpu.memory_space<vmem_shared>>
          tpu.enqueue_indirect_dma source(%arg9 : memref<128x128xf32, #tpu.memory_space<vmem>>) target(%dma_start3A_177 : memref<10240x128xf32, #tpu.memory_space<vmem_shared>>) offsets(%dma_start3A_174 : memref<128xi32, #tpu.memory_space<vmem>>) semaphore(%run_scoped3A_171 : memref<!tpu.dma_semaphore, #tpu.memory_space<semaphore_mem>>) {add = true}
          %dma_wait3A_178 = arith.constant 0 : i32
          %dma_wait3A_179 = tpu.memref_slice %arg7[%run_scoped3A, %dma_wait3A_178] : memref<2x128xi32, #tpu.memory_space<vmem>> -> memref<1x128xi32, #tpu.memory_space<vmem>>
          %dma_wait3A_180 = tpu.memref_squeeze %dma_wait3A_179 : memref<1x128xi32, #tpu.memory_space<vmem>> -> memref<128xi32, #tpu.memory_space<vmem>>
          %dma_wait3A_181 = arith.constant 0 : i32
          %dma_wait3A_182 = arith.constant 0 : i32
          %dma_wait3A_183 = tpu.memref_slice %arg11[%dma_wait3A_181, %dma_wait3A_182] : memref<10240x128xf32, #tpu.memory_space<vmem_shared>> -> memref<10240x128xf32, #tpu.memory_space<vmem_shared>>
          tpu.wait_indirect_dma semaphore(%run_scoped3A_171 : memref<!tpu.dma_semaphore, #tpu.memory_space<semaphore_mem>>) src(%arg9 : memref<128x128xf32, #tpu.memory_space<vmem>>) dst(%dma_wait3A_183 : memref<10240x128xf32, #tpu.memory_space<vmem_shared>>)
          tpu.yield
        }) : () -> ()
        %add3A_165 = arith.constant 4 : i32
        %add3A_166 = arith.addi %while3A_132, %add3A_165 : i32
        %lt3A_167 = arith.cmpi slt, %add3A_166, %add3A_8 : i32
        %convert_element_type3A_168 = arith.extui %lt3A_167 : i1 to i32
        %cond3A_169 = arith.constant 0 : i32
        %cond3A_170 = arith.cmpi ne, %convert_element_type3A_168, %cond3A_169 : i32
        scf.if %cond3A_170 {
          %add3A_171 = arith.addi %add3A_4, %while3A_132 : i32
          %add3A_172 = arith.constant 4 : i32
          %add3A_173 = arith.addi %add3A_171, %add3A_172 : i32
          %mul3A_174 = arith.constant 128 : i32
          %mul3A_175 = arith.muli %add3A_173, %mul3A_174 : i32
          %dma_start3A_176 = arith.constant 0 : i32
          %dma_start3A_177 = tpu.memref_slice %arg3[%dma_start3A_176, %mul3A_175] : memref<2x320000xi32, #tpu.memory_space<hbm>> -> memref<2x128xi32, #tpu.memory_space<hbm>>
          %dma_start3A_178 = arith.constant 0 : i32
          %dma_start3A_179 = tpu.memref_slice %arg3[%dma_start3A_178, %mul3A_175] : memref<2x320000xi32, #tpu.memory_space<hbm>> -> memref<2x128xi32, #tpu.memory_space<hbm>>
          tpu.enqueue_dma source(%dma_start3A_179 : memref<2x128xi32, #tpu.memory_space<hbm>>) target(%arg7 : memref<2x128xi32, #tpu.memory_space<vmem>>) target_semaphore(%arg14 : memref<!tpu.dma_semaphore, #tpu.memory_space<semaphore_mem>>)
        } else {
        }
      } else {
      }
      %eq3A_147 = arith.constant 3 : i32
      %eq3A_148 = arith.cmpi eq, %rem3A_134, %eq3A_147 : i32
      %convert_element_type3A_149 = arith.extui %eq3A_148 : i1 to i32
      %cond3A_150 = arith.constant 0 : i32
      %cond3A_151 = arith.cmpi ne, %convert_element_type3A_149, %cond3A_150 : i32
      scf.if %cond3A_151 {
        %add3A_153 = arith.constant 1 : i32
        %add3A_154 = arith.addi %while3A_132, %add3A_153 : i32
        %lt3A_155 = arith.cmpi slt, %add3A_154, %add3A_8 : i32
        %convert_element_type3A_156 = arith.extui %lt3A_155 : i1 to i32
        %cond3A_157 = arith.constant 0 : i32
        %cond3A_158 = arith.cmpi ne, %convert_element_type3A_156, %cond3A_157 : i32
        scf.if %cond3A_158 {
          %dma_wait3A_171 = arith.constant 0 : i32
          %dma_wait3A_172 = arith.constant 0 : i32
          %dma_wait3A_173 = tpu.memref_slice %arg3[%dma_wait3A_171, %dma_wait3A_172] : memref<2x320000xi32, #tpu.memory_space<hbm>> -> memref<2x128xi32, #tpu.memory_space<hbm>>
          %dma_wait3A_174 = arith.constant 0 : i32
          %dma_wait3A_175 = arith.constant 0 : i32
          %dma_wait3A_176 = tpu.memref_slice %arg3[%dma_wait3A_174, %dma_wait3A_175] : memref<2x320000xi32, #tpu.memory_space<hbm>> -> memref<2x128xi32, #tpu.memory_space<hbm>>
          tpu.wait_dma2 semaphore(%arg12 : memref<!tpu.dma_semaphore, #tpu.memory_space<semaphore_mem>>) src(%dma_wait3A_176 : memref<2x128xi32, #tpu.memory_space<hbm>>) dst(%arg5 : memref<2x128xi32, #tpu.memory_space<vmem>>)
          %dma_start3A_177 = arith.constant 0 : i32
          %dma_start3A_178 = arith.constant 0 : i32
          %dma_start3A_179 = tpu.memref_slice %arg5[%dma_start3A_177, %dma_start3A_178] : memref<2x128xi32, #tpu.memory_space<vmem>> -> memref<1x128xi32, #tpu.memory_space<vmem>>
          %dma_start3A_180 = tpu.memref_squeeze %dma_start3A_179 : memref<1x128xi32, #tpu.memory_space<vmem>> -> memref<128xi32, #tpu.memory_space<vmem>>
          %dma_start3A_181 = arith.constant 0 : i32
          %dma_start3A_182 = arith.constant 0 : i32
          %dma_start3A_183 = tpu.memref_slice %arg2[%dma_start3A_181, %dma_start3A_182] : memref<10000x128xf32, #tpu.memory_space<hbm>> -> memref<10000x128xf32, #tpu.memory_space<hbm>>
          tpu.enqueue_indirect_dma source(%dma_start3A_183 : memref<10000x128xf32, #tpu.memory_space<hbm>>) target(%arg9 : memref<128x128xf32, #tpu.memory_space<vmem>>) offsets(%dma_start3A_180 : memref<128xi32, #tpu.memory_space<vmem>>) semaphore(%arg16 : memref<!tpu.dma_semaphore, #tpu.memory_space<semaphore_mem>>)
        } else {
        }
        %dma_wait3A_159 = arith.constant 0 : i32
        %dma_wait3A_160 = arith.constant 0 : i32
        %dma_wait3A_161 = tpu.memref_slice %arg2[%dma_wait3A_159, %dma_wait3A_160] : memref<10000x128xf32, #tpu.memory_space<hbm>> -> memref<128x128xf32, #tpu.memory_space<hbm>>
        %dma_wait3A_162 = arith.constant 0 : i32
        %dma_wait3A_163 = arith.constant 0 : i32
        %dma_wait3A_164 = tpu.memref_slice %arg2[%dma_wait3A_162, %dma_wait3A_163] : memref<10000x128xf32, #tpu.memory_space<hbm>> -> memref<128x128xf32, #tpu.memory_space<hbm>>
        tpu.wait_dma2 semaphore(%arg17 : memref<!tpu.dma_semaphore, #tpu.memory_space<semaphore_mem>>) src(%dma_wait3A_164 : memref<128x128xf32, #tpu.memory_space<hbm>>) dst(%arg10 : memref<128x128xf32, #tpu.memory_space<vmem>>)
        %run_scoped3A = arith.constant 1 : i32
        "tpu.region"() ({
          %run_scoped3A_171 = tpu.sem_alloc : memref<!tpu.dma_semaphore, #tpu.memory_space<semaphore_mem>>
          %dma_start3A_172 = arith.constant 0 : i32
          %dma_start3A_173 = tpu.memref_slice %arg8[%run_scoped3A, %dma_start3A_172] : memref<2x128xi32, #tpu.memory_space<vmem>> -> memref<1x128xi32, #tpu.memory_space<vmem>>
          %dma_start3A_174 = tpu.memref_squeeze %dma_start3A_173 : memref<1x128xi32, #tpu.memory_space<vmem>> -> memref<128xi32, #tpu.memory_space<vmem>>
          %dma_start3A_175 = arith.constant 0 : i32
          %dma_start3A_176 = arith.constant 0 : i32
          %dma_start3A_177 = tpu.memref_slice %arg11[%dma_start3A_175, %dma_start3A_176] : memref<10240x128xf32, #tpu.memory_space<vmem_shared>> -> memref<10240x128xf32, #tpu.memory_space<vmem_shared>>
          tpu.enqueue_indirect_dma source(%arg10 : memref<128x128xf32, #tpu.memory_space<vmem>>) target(%dma_start3A_177 : memref<10240x128xf32, #tpu.memory_space<vmem_shared>>) offsets(%dma_start3A_174 : memref<128xi32, #tpu.memory_space<vmem>>) semaphore(%run_scoped3A_171 : memref<!tpu.dma_semaphore, #tpu.memory_space<semaphore_mem>>) {add = true}
          %dma_wait3A_178 = arith.constant 0 : i32
          %dma_wait3A_179 = tpu.memref_slice %arg8[%run_scoped3A, %dma_wait3A_178] : memref<2x128xi32, #tpu.memory_space<vmem>> -> memref<1x128xi32, #tpu.memory_space<vmem>>
          %dma_wait3A_180 = tpu.memref_squeeze %dma_wait3A_179 : memref<1x128xi32, #tpu.memory_space<vmem>> -> memref<128xi32, #tpu.memory_space<vmem>>
          %dma_wait3A_181 = arith.constant 0 : i32
          %dma_wait3A_182 = arith.constant 0 : i32
          %dma_wait3A_183 = tpu.memref_slice %arg11[%dma_wait3A_181, %dma_wait3A_182] : memref<10240x128xf32, #tpu.memory_space<vmem_shared>> -> memref<10240x128xf32, #tpu.memory_space<vmem_shared>>
          tpu.wait_indirect_dma semaphore(%run_scoped3A_171 : memref<!tpu.dma_semaphore, #tpu.memory_space<semaphore_mem>>) src(%arg10 : memref<128x128xf32, #tpu.memory_space<vmem>>) dst(%dma_wait3A_183 : memref<10240x128xf32, #tpu.memory_space<vmem_shared>>)
          tpu.yield
        }) : () -> ()
        %add3A_165 = arith.constant 4 : i32
        %add3A_166 = arith.addi %while3A_132, %add3A_165 : i32
        %lt3A_167 = arith.cmpi slt, %add3A_166, %add3A_8 : i32
        %convert_element_type3A_168 = arith.extui %lt3A_167 : i1 to i32
        %cond3A_169 = arith.constant 0 : i32
        %cond3A_170 = arith.cmpi ne, %convert_element_type3A_168, %cond3A_169 : i32
        scf.if %cond3A_170 {
          %add3A_171 = arith.addi %add3A_4, %while3A_132 : i32
          %add3A_172 = arith.constant 4 : i32
          %add3A_173 = arith.addi %add3A_171, %add3A_172 : i32
          %mul3A_174 = arith.constant 128 : i32
          %mul3A_175 = arith.muli %add3A_173, %mul3A_174 : i32
          %dma_start3A_176 = arith.constant 0 : i32
          %dma_start3A_177 = tpu.memref_slice %arg3[%dma_start3A_176, %mul3A_175] : memref<2x320000xi32, #tpu.memory_space<hbm>> -> memref<2x128xi32, #tpu.memory_space<hbm>>
          %dma_start3A_178 = arith.constant 0 : i32
          %dma_start3A_179 = tpu.memref_slice %arg3[%dma_start3A_178, %mul3A_175] : memref<2x320000xi32, #tpu.memory_space<hbm>> -> memref<2x128xi32, #tpu.memory_space<hbm>>
          tpu.enqueue_dma source(%dma_start3A_179 : memref<2x128xi32, #tpu.memory_space<hbm>>) target(%arg8 : memref<2x128xi32, #tpu.memory_space<vmem>>) target_semaphore(%arg15 : memref<!tpu.dma_semaphore, #tpu.memory_space<semaphore_mem>>)
        } else {
        }
      } else {
      }
      %while3A_152 = arith.constant 0 : i32
      scf.yield %while3A_152 : i32
    }
    %while3A_125 = arith.constant 1 : i32
    %while3A_126 = scf.for %while3A_132 = %while3A_122 to %while3A_118 step %while3A_125 iter_args(%while3A_133 = %while3A_124) -> (i32)  : i32 {
      %rem3A = arith.constant 4 : i32
      %rem3A_134 = arith.remsi %while3A_132, %rem3A : i32
      %eq3A = arith.constant 0 : i32
      %eq3A_135 = arith.cmpi eq, %rem3A_134, %eq3A : i32
      %convert_element_type3A = arith.extui %eq3A_135 : i1 to i32
      %cond3A = arith.constant 0 : i32
      %cond3A_136 = arith.cmpi ne, %convert_element_type3A, %cond3A : i32
      scf.if %cond3A_136 {
        %add3A_153 = arith.constant 1 : i32
        %add3A_154 = arith.addi %while3A_132, %add3A_153 : i32
        %lt3A_155 = arith.cmpi slt, %add3A_154, %add3A_8 : i32
        %convert_element_type3A_156 = arith.extui %lt3A_155 : i1 to i32
        %cond3A_157 = arith.constant 0 : i32
        %cond3A_158 = arith.cmpi ne, %convert_element_type3A_156, %cond3A_157 : i32
        scf.if %cond3A_158 {
          %dma_wait3A_171 = arith.constant 0 : i32
          %dma_wait3A_172 = arith.constant 0 : i32
          %dma_wait3A_173 = tpu.memref_slice %arg3[%dma_wait3A_171, %dma_wait3A_172] : memref<2x320000xi32, #tpu.memory_space<hbm>> -> memref<2x128xi32, #tpu.memory_space<hbm>>
          %dma_wait3A_174 = arith.constant 0 : i32
          %dma_wait3A_175 = arith.constant 0 : i32
          %dma_wait3A_176 = tpu.memref_slice %arg3[%dma_wait3A_174, %dma_wait3A_175] : memref<2x320000xi32, #tpu.memory_space<hbm>> -> memref<2x128xi32, #tpu.memory_space<hbm>>
          tpu.wait_dma2 semaphore(%arg13 : memref<!tpu.dma_semaphore, #tpu.memory_space<semaphore_mem>>) src(%dma_wait3A_176 : memref<2x128xi32, #tpu.memory_space<hbm>>) dst(%arg6 : memref<2x128xi32, #tpu.memory_space<vmem>>)
          %dma_start3A_177 = arith.constant 0 : i32
          %dma_start3A_178 = arith.constant 0 : i32
          %dma_start3A_179 = tpu.memref_slice %arg6[%dma_start3A_177, %dma_start3A_178] : memref<2x128xi32, #tpu.memory_space<vmem>> -> memref<1x128xi32, #tpu.memory_space<vmem>>
          %dma_start3A_180 = tpu.memref_squeeze %dma_start3A_179 : memref<1x128xi32, #tpu.memory_space<vmem>> -> memref<128xi32, #tpu.memory_space<vmem>>
          %dma_start3A_181 = arith.constant 0 : i32
          %dma_start3A_182 = arith.constant 0 : i32
          %dma_start3A_183 = tpu.memref_slice %arg2[%dma_start3A_181, %dma_start3A_182] : memref<10000x128xf32, #tpu.memory_space<hbm>> -> memref<10000x128xf32, #tpu.memory_space<hbm>>
          tpu.enqueue_indirect_dma source(%dma_start3A_183 : memref<10000x128xf32, #tpu.memory_space<hbm>>) target(%arg10 : memref<128x128xf32, #tpu.memory_space<vmem>>) offsets(%dma_start3A_180 : memref<128xi32, #tpu.memory_space<vmem>>) semaphore(%arg17 : memref<!tpu.dma_semaphore, #tpu.memory_space<semaphore_mem>>)
        } else {
        }
        %dma_wait3A_159 = arith.constant 0 : i32
        %dma_wait3A_160 = arith.constant 0 : i32
        %dma_wait3A_161 = tpu.memref_slice %arg2[%dma_wait3A_159, %dma_wait3A_160] : memref<10000x128xf32, #tpu.memory_space<hbm>> -> memref<128x128xf32, #tpu.memory_space<hbm>>
        %dma_wait3A_162 = arith.constant 0 : i32
        %dma_wait3A_163 = arith.constant 0 : i32
        %dma_wait3A_164 = tpu.memref_slice %arg2[%dma_wait3A_162, %dma_wait3A_163] : memref<10000x128xf32, #tpu.memory_space<hbm>> -> memref<128x128xf32, #tpu.memory_space<hbm>>
        tpu.wait_dma2 semaphore(%arg16 : memref<!tpu.dma_semaphore, #tpu.memory_space<semaphore_mem>>) src(%dma_wait3A_164 : memref<128x128xf32, #tpu.memory_space<hbm>>) dst(%arg9 : memref<128x128xf32, #tpu.memory_space<vmem>>)
        %run_scoped3A = arith.constant 1 : i32
        "tpu.region"() ({
          %run_scoped3A_171 = tpu.sem_alloc : memref<!tpu.dma_semaphore, #tpu.memory_space<semaphore_mem>>
          %dma_start3A_172 = arith.constant 0 : i32
          %dma_start3A_173 = tpu.memref_slice %arg5[%run_scoped3A, %dma_start3A_172] : memref<2x128xi32, #tpu.memory_space<vmem>> -> memref<1x128xi32, #tpu.memory_space<vmem>>
          %dma_start3A_174 = tpu.memref_squeeze %dma_start3A_173 : memref<1x128xi32, #tpu.memory_space<vmem>> -> memref<128xi32, #tpu.memory_space<vmem>>
          %dma_start3A_175 = arith.constant 0 : i32
          %dma_start3A_176 = arith.constant 0 : i32
          %dma_start3A_177 = tpu.memref_slice %arg11[%dma_start3A_175, %dma_start3A_176] : memref<10240x128xf32, #tpu.memory_space<vmem_shared>> -> memref<10240x128xf32, #tpu.memory_space<vmem_shared>>
          tpu.enqueue_indirect_dma source(%arg9 : memref<128x128xf32, #tpu.memory_space<vmem>>) target(%dma_start3A_177 : memref<10240x128xf32, #tpu.memory_space<vmem_shared>>) offsets(%dma_start3A_174 : memref<128xi32, #tpu.memory_space<vmem>>) semaphore(%run_scoped3A_171 : memref<!tpu.dma_semaphore, #tpu.memory_space<semaphore_mem>>) {add = true}
          %dma_wait3A_178 = arith.constant 0 : i32
          %dma_wait3A_179 = tpu.memref_slice %arg5[%run_scoped3A, %dma_wait3A_178] : memref<2x128xi32, #tpu.memory_space<vmem>> -> memref<1x128xi32, #tpu.memory_space<vmem>>
          %dma_wait3A_180 = tpu.memref_squeeze %dma_wait3A_179 : memref<1x128xi32, #tpu.memory_space<vmem>> -> memref<128xi32, #tpu.memory_space<vmem>>
          %dma_wait3A_181 = arith.constant 0 : i32
          %dma_wait3A_182 = arith.constant 0 : i32
          %dma_wait3A_183 = tpu.memref_slice %arg11[%dma_wait3A_181, %dma_wait3A_182] : memref<10240x128xf32, #tpu.memory_space<vmem_shared>> -> memref<10240x128xf32, #tpu.memory_space<vmem_shared>>
          tpu.wait_indirect_dma semaphore(%run_scoped3A_171 : memref<!tpu.dma_semaphore, #tpu.memory_space<semaphore_mem>>) src(%arg9 : memref<128x128xf32, #tpu.memory_space<vmem>>) dst(%dma_wait3A_183 : memref<10240x128xf32, #tpu.memory_space<vmem_shared>>)
          tpu.yield
        }) : () -> ()
        %add3A_165 = arith.constant 4 : i32
        %add3A_166 = arith.addi %while3A_132, %add3A_165 : i32
        %lt3A_167 = arith.cmpi slt, %add3A_166, %add3A_8 : i32
        %convert_element_type3A_168 = arith.extui %lt3A_167 : i1 to i32
        %cond3A_169 = arith.constant 0 : i32
        %cond3A_170 = arith.cmpi ne, %convert_element_type3A_168, %cond3A_169 : i32
        scf.if %cond3A_170 {
          %add3A_171 = arith.addi %add3A_4, %while3A_132 : i32
          %add3A_172 = arith.constant 4 : i32
          %add3A_173 = arith.addi %add3A_171, %add3A_172 : i32
          %mul3A_174 = arith.constant 128 : i32
          %mul3A_175 = arith.muli %add3A_173, %mul3A_174 : i32
          %dma_start3A_176 = arith.constant 0 : i32
          %dma_start3A_177 = tpu.memref_slice %arg3[%dma_start3A_176, %mul3A_175] : memref<2x320000xi32, #tpu.memory_space<hbm>> -> memref<2x128xi32, #tpu.memory_space<hbm>>
          %dma_start3A_178 = arith.constant 0 : i32
          %dma_start3A_179 = tpu.memref_slice %arg3[%dma_start3A_178, %mul3A_175] : memref<2x320000xi32, #tpu.memory_space<hbm>> -> memref<2x128xi32, #tpu.memory_space<hbm>>
          tpu.enqueue_dma source(%dma_start3A_179 : memref<2x128xi32, #tpu.memory_space<hbm>>) target(%arg5 : memref<2x128xi32, #tpu.memory_space<vmem>>) target_semaphore(%arg12 : memref<!tpu.dma_semaphore, #tpu.memory_space<semaphore_mem>>)
        } else {
        }
      } else {
      }
      %eq3A_137 = arith.constant 1 : i32
      %eq3A_138 = arith.cmpi eq, %rem3A_134, %eq3A_137 : i32
      %convert_element_type3A_139 = arith.extui %eq3A_138 : i1 to i32
      %cond3A_140 = arith.constant 0 : i32
      %cond3A_141 = arith.cmpi ne, %convert_element_type3A_139, %cond3A_140 : i32
      scf.if %cond3A_141 {
        %add3A_153 = arith.constant 1 : i32
        %add3A_154 = arith.addi %while3A_132, %add3A_153 : i32
        %lt3A_155 = arith.cmpi slt, %add3A_154, %add3A_8 : i32
        %convert_element_type3A_156 = arith.extui %lt3A_155 : i1 to i32
        %cond3A_157 = arith.constant 0 : i32
        %cond3A_158 = arith.cmpi ne, %convert_element_type3A_156, %cond3A_157 : i32
        scf.if %cond3A_158 {
          %dma_wait3A_171 = arith.constant 0 : i32
          %dma_wait3A_172 = arith.constant 0 : i32
          %dma_wait3A_173 = tpu.memref_slice %arg3[%dma_wait3A_171, %dma_wait3A_172] : memref<2x320000xi32, #tpu.memory_space<hbm>> -> memref<2x128xi32, #tpu.memory_space<hbm>>
          %dma_wait3A_174 = arith.constant 0 : i32
          %dma_wait3A_175 = arith.constant 0 : i32
          %dma_wait3A_176 = tpu.memref_slice %arg3[%dma_wait3A_174, %dma_wait3A_175] : memref<2x320000xi32, #tpu.memory_space<hbm>> -> memref<2x128xi32, #tpu.memory_space<hbm>>
          tpu.wait_dma2 semaphore(%arg14 : memref<!tpu.dma_semaphore, #tpu.memory_space<semaphore_mem>>) src(%dma_wait3A_176 : memref<2x128xi32, #tpu.memory_space<hbm>>) dst(%arg7 : memref<2x128xi32, #tpu.memory_space<vmem>>)
          %dma_start3A_177 = arith.constant 0 : i32
          %dma_start3A_178 = arith.constant 0 : i32
          %dma_start3A_179 = tpu.memref_slice %arg7[%dma_start3A_177, %dma_start3A_178] : memref<2x128xi32, #tpu.memory_space<vmem>> -> memref<1x128xi32, #tpu.memory_space<vmem>>
          %dma_start3A_180 = tpu.memref_squeeze %dma_start3A_179 : memref<1x128xi32, #tpu.memory_space<vmem>> -> memref<128xi32, #tpu.memory_space<vmem>>
          %dma_start3A_181 = arith.constant 0 : i32
          %dma_start3A_182 = arith.constant 0 : i32
          %dma_start3A_183 = tpu.memref_slice %arg2[%dma_start3A_181, %dma_start3A_182] : memref<10000x128xf32, #tpu.memory_space<hbm>> -> memref<10000x128xf32, #tpu.memory_space<hbm>>
          tpu.enqueue_indirect_dma source(%dma_start3A_183 : memref<10000x128xf32, #tpu.memory_space<hbm>>) target(%arg9 : memref<128x128xf32, #tpu.memory_space<vmem>>) offsets(%dma_start3A_180 : memref<128xi32, #tpu.memory_space<vmem>>) semaphore(%arg16 : memref<!tpu.dma_semaphore, #tpu.memory_space<semaphore_mem>>)
        } else {
        }
        %dma_wait3A_159 = arith.constant 0 : i32
        %dma_wait3A_160 = arith.constant 0 : i32
        %dma_wait3A_161 = tpu.memref_slice %arg2[%dma_wait3A_159, %dma_wait3A_160] : memref<10000x128xf32, #tpu.memory_space<hbm>> -> memref<128x128xf32, #tpu.memory_space<hbm>>
        %dma_wait3A_162 = arith.constant 0 : i32
        %dma_wait3A_163 = arith.constant 0 : i32
        %dma_wait3A_164 = tpu.memref_slice %arg2[%dma_wait3A_162, %dma_wait3A_163] : memref<10000x128xf32, #tpu.memory_space<hbm>> -> memref<128x128xf32, #tpu.memory_space<hbm>>
        tpu.wait_dma2 semaphore(%arg17 : memref<!tpu.dma_semaphore, #tpu.memory_space<semaphore_mem>>) src(%dma_wait3A_164 : memref<128x128xf32, #tpu.memory_space<hbm>>) dst(%arg10 : memref<128x128xf32, #tpu.memory_space<vmem>>)
        %run_scoped3A = arith.constant 1 : i32
        "tpu.region"() ({
          %run_scoped3A_171 = tpu.sem_alloc : memref<!tpu.dma_semaphore, #tpu.memory_space<semaphore_mem>>
          %dma_start3A_172 = arith.constant 0 : i32
          %dma_start3A_173 = tpu.memref_slice %arg6[%run_scoped3A, %dma_start3A_172] : memref<2x128xi32, #tpu.memory_space<vmem>> -> memref<1x128xi32, #tpu.memory_space<vmem>>
          %dma_start3A_174 = tpu.memref_squeeze %dma_start3A_173 : memref<1x128xi32, #tpu.memory_space<vmem>> -> memref<128xi32, #tpu.memory_space<vmem>>
          %dma_start3A_175 = arith.constant 0 : i32
          %dma_start3A_176 = arith.constant 0 : i32
          %dma_start3A_177 = tpu.memref_slice %arg11[%dma_start3A_175, %dma_start3A_176] : memref<10240x128xf32, #tpu.memory_space<vmem_shared>> -> memref<10240x128xf32, #tpu.memory_space<vmem_shared>>
          tpu.enqueue_indirect_dma source(%arg10 : memref<128x128xf32, #tpu.memory_space<vmem>>) target(%dma_start3A_177 : memref<10240x128xf32, #tpu.memory_space<vmem_shared>>) offsets(%dma_start3A_174 : memref<128xi32, #tpu.memory_space<vmem>>) semaphore(%run_scoped3A_171 : memref<!tpu.dma_semaphore, #tpu.memory_space<semaphore_mem>>) {add = true}
          %dma_wait3A_178 = arith.constant 0 : i32
          %dma_wait3A_179 = tpu.memref_slice %arg6[%run_scoped3A, %dma_wait3A_178] : memref<2x128xi32, #tpu.memory_space<vmem>> -> memref<1x128xi32, #tpu.memory_space<vmem>>
          %dma_wait3A_180 = tpu.memref_squeeze %dma_wait3A_179 : memref<1x128xi32, #tpu.memory_space<vmem>> -> memref<128xi32, #tpu.memory_space<vmem>>
          %dma_wait3A_181 = arith.constant 0 : i32
          %dma_wait3A_182 = arith.constant 0 : i32
          %dma_wait3A_183 = tpu.memref_slice %arg11[%dma_wait3A_181, %dma_wait3A_182] : memref<10240x128xf32, #tpu.memory_space<vmem_shared>> -> memref<10240x128xf32, #tpu.memory_space<vmem_shared>>
          tpu.wait_indirect_dma semaphore(%run_scoped3A_171 : memref<!tpu.dma_semaphore, #tpu.memory_space<semaphore_mem>>) src(%arg10 : memref<128x128xf32, #tpu.memory_space<vmem>>) dst(%dma_wait3A_183 : memref<10240x128xf32, #tpu.memory_space<vmem_shared>>)
          tpu.yield
        }) : () -> ()
        %add3A_165 = arith.constant 4 : i32
        %add3A_166 = arith.addi %while3A_132, %add3A_165 : i32
        %lt3A_167 = arith.cmpi slt, %add3A_166, %add3A_8 : i32
        %convert_element_type3A_168 = arith.extui %lt3A_167 : i1 to i32
        %cond3A_169 = arith.constant 0 : i32
        %cond3A_170 = arith.cmpi ne, %convert_element_type3A_168, %cond3A_169 : i32
        scf.if %cond3A_170 {
          %add3A_171 = arith.addi %add3A_4, %while3A_132 : i32
          %add3A_172 = arith.constant 4 : i32
          %add3A_173 = arith.addi %add3A_171, %add3A_172 : i32
          %mul3A_174 = arith.constant 128 : i32
          %mul3A_175 = arith.muli %add3A_173, %mul3A_174 : i32
          %dma_start3A_176 = arith.constant 0 : i32
          %dma_start3A_177 = tpu.memref_slice %arg3[%dma_start3A_176, %mul3A_175] : memref<2x320000xi32, #tpu.memory_space<hbm>> -> memref<2x128xi32, #tpu.memory_space<hbm>>
          %dma_start3A_178 = arith.constant 0 : i32
          %dma_start3A_179 = tpu.memref_slice %arg3[%dma_start3A_178, %mul3A_175] : memref<2x320000xi32, #tpu.memory_space<hbm>> -> memref<2x128xi32, #tpu.memory_space<hbm>>
          tpu.enqueue_dma source(%dma_start3A_179 : memref<2x128xi32, #tpu.memory_space<hbm>>) target(%arg6 : memref<2x128xi32, #tpu.memory_space<vmem>>) target_semaphore(%arg13 : memref<!tpu.dma_semaphore, #tpu.memory_space<semaphore_mem>>)
        } else {
        }
      } else {
      }
      %eq3A_142 = arith.constant 2 : i32
      %eq3A_143 = arith.cmpi eq, %rem3A_134, %eq3A_142 : i32
      %convert_element_type3A_144 = arith.extui %eq3A_143 : i1 to i32
      %cond3A_145 = arith.constant 0 : i32
      %cond3A_146 = arith.cmpi ne, %convert_element_type3A_144, %cond3A_145 : i32
      scf.if %cond3A_146 {
        %add3A_153 = arith.constant 1 : i32
        %add3A_154 = arith.addi %while3A_132, %add3A_153 : i32
        %lt3A_155 = arith.cmpi slt, %add3A_154, %add3A_8 : i32
        %convert_element_type3A_156 = arith.extui %lt3A_155 : i1 to i32
        %cond3A_157 = arith.constant 0 : i32
        %cond3A_158 = arith.cmpi ne, %convert_element_type3A_156, %cond3A_157 : i32
        scf.if %cond3A_158 {
          %dma_wait3A_171 = arith.constant 0 : i32
          %dma_wait3A_172 = arith.constant 0 : i32
          %dma_wait3A_173 = tpu.memref_slice %arg3[%dma_wait3A_171, %dma_wait3A_172] : memref<2x320000xi32, #tpu.memory_space<hbm>> -> memref<2x128xi32, #tpu.memory_space<hbm>>
          %dma_wait3A_174 = arith.constant 0 : i32
          %dma_wait3A_175 = arith.constant 0 : i32
          %dma_wait3A_176 = tpu.memref_slice %arg3[%dma_wait3A_174, %dma_wait3A_175] : memref<2x320000xi32, #tpu.memory_space<hbm>> -> memref<2x128xi32, #tpu.memory_space<hbm>>
          tpu.wait_dma2 semaphore(%arg15 : memref<!tpu.dma_semaphore, #tpu.memory_space<semaphore_mem>>) src(%dma_wait3A_176 : memref<2x128xi32, #tpu.memory_space<hbm>>) dst(%arg8 : memref<2x128xi32, #tpu.memory_space<vmem>>)
          %dma_start3A_177 = arith.constant 0 : i32
          %dma_start3A_178 = arith.constant 0 : i32
          %dma_start3A_179 = tpu.memref_slice %arg8[%dma_start3A_177, %dma_start3A_178] : memref<2x128xi32, #tpu.memory_space<vmem>> -> memref<1x128xi32, #tpu.memory_space<vmem>>
          %dma_start3A_180 = tpu.memref_squeeze %dma_start3A_179 : memref<1x128xi32, #tpu.memory_space<vmem>> -> memref<128xi32, #tpu.memory_space<vmem>>
          %dma_start3A_181 = arith.constant 0 : i32
          %dma_start3A_182 = arith.constant 0 : i32
          %dma_start3A_183 = tpu.memref_slice %arg2[%dma_start3A_181, %dma_start3A_182] : memref<10000x128xf32, #tpu.memory_space<hbm>> -> memref<10000x128xf32, #tpu.memory_space<hbm>>
          tpu.enqueue_indirect_dma source(%dma_start3A_183 : memref<10000x128xf32, #tpu.memory_space<hbm>>) target(%arg10 : memref<128x128xf32, #tpu.memory_space<vmem>>) offsets(%dma_start3A_180 : memref<128xi32, #tpu.memory_space<vmem>>) semaphore(%arg17 : memref<!tpu.dma_semaphore, #tpu.memory_space<semaphore_mem>>)
        } else {
        }
        %dma_wait3A_159 = arith.constant 0 : i32
        %dma_wait3A_160 = arith.constant 0 : i32
        %dma_wait3A_161 = tpu.memref_slice %arg2[%dma_wait3A_159, %dma_wait3A_160] : memref<10000x128xf32, #tpu.memory_space<hbm>> -> memref<128x128xf32, #tpu.memory_space<hbm>>
        %dma_wait3A_162 = arith.constant 0 : i32
        %dma_wait3A_163 = arith.constant 0 : i32
        %dma_wait3A_164 = tpu.memref_slice %arg2[%dma_wait3A_162, %dma_wait3A_163] : memref<10000x128xf32, #tpu.memory_space<hbm>> -> memref<128x128xf32, #tpu.memory_space<hbm>>
        tpu.wait_dma2 semaphore(%arg16 : memref<!tpu.dma_semaphore, #tpu.memory_space<semaphore_mem>>) src(%dma_wait3A_164 : memref<128x128xf32, #tpu.memory_space<hbm>>) dst(%arg9 : memref<128x128xf32, #tpu.memory_space<vmem>>)
        %run_scoped3A = arith.constant 1 : i32
        "tpu.region"() ({
          %run_scoped3A_171 = tpu.sem_alloc : memref<!tpu.dma_semaphore, #tpu.memory_space<semaphore_mem>>
          %dma_start3A_172 = arith.constant 0 : i32
          %dma_start3A_173 = tpu.memref_slice %arg7[%run_scoped3A, %dma_start3A_172] : memref<2x128xi32, #tpu.memory_space<vmem>> -> memref<1x128xi32, #tpu.memory_space<vmem>>
          %dma_start3A_174 = tpu.memref_squeeze %dma_start3A_173 : memref<1x128xi32, #tpu.memory_space<vmem>> -> memref<128xi32, #tpu.memory_space<vmem>>
          %dma_start3A_175 = arith.constant 0 : i32
          %dma_start3A_176 = arith.constant 0 : i32
          %dma_start3A_177 = tpu.memref_slice %arg11[%dma_start3A_175, %dma_start3A_176] : memref<10240x128xf32, #tpu.memory_space<vmem_shared>> -> memref<10240x128xf32, #tpu.memory_space<vmem_shared>>
          tpu.enqueue_indirect_dma source(%arg9 : memref<128x128xf32, #tpu.memory_space<vmem>>) target(%dma_start3A_177 : memref<10240x128xf32, #tpu.memory_space<vmem_shared>>) offsets(%dma_start3A_174 : memref<128xi32, #tpu.memory_space<vmem>>) semaphore(%run_scoped3A_171 : memref<!tpu.dma_semaphore, #tpu.memory_space<semaphore_mem>>) {add = true}
          %dma_wait3A_178 = arith.constant 0 : i32
          %dma_wait3A_179 = tpu.memref_slice %arg7[%run_scoped3A, %dma_wait3A_178] : memref<2x128xi32, #tpu.memory_space<vmem>> -> memref<1x128xi32, #tpu.memory_space<vmem>>
          %dma_wait3A_180 = tpu.memref_squeeze %dma_wait3A_179 : memref<1x128xi32, #tpu.memory_space<vmem>> -> memref<128xi32, #tpu.memory_space<vmem>>
          %dma_wait3A_181 = arith.constant 0 : i32
          %dma_wait3A_182 = arith.constant 0 : i32
          %dma_wait3A_183 = tpu.memref_slice %arg11[%dma_wait3A_181, %dma_wait3A_182] : memref<10240x128xf32, #tpu.memory_space<vmem_shared>> -> memref<10240x128xf32, #tpu.memory_space<vmem_shared>>
          tpu.wait_indirect_dma semaphore(%run_scoped3A_171 : memref<!tpu.dma_semaphore, #tpu.memory_space<semaphore_mem>>) src(%arg9 : memref<128x128xf32, #tpu.memory_space<vmem>>) dst(%dma_wait3A_183 : memref<10240x128xf32, #tpu.memory_space<vmem_shared>>)
          tpu.yield
        }) : () -> ()
        %add3A_165 = arith.constant 4 : i32
        %add3A_166 = arith.addi %while3A_132, %add3A_165 : i32
        %lt3A_167 = arith.cmpi slt, %add3A_166, %add3A_8 : i32
        %convert_element_type3A_168 = arith.extui %lt3A_167 : i1 to i32
        %cond3A_169 = arith.constant 0 : i32
        %cond3A_170 = arith.cmpi ne, %convert_element_type3A_168, %cond3A_169 : i32
        scf.if %cond3A_170 {
          %add3A_171 = arith.addi %add3A_4, %while3A_132 : i32
          %add3A_172 = arith.constant 4 : i32
          %add3A_173 = arith.addi %add3A_171, %add3A_172 : i32
          %mul3A_174 = arith.constant 128 : i32
          %mul3A_175 = arith.muli %add3A_173, %mul3A_174 : i32
          %dma_start3A_176 = arith.constant 0 : i32
          %dma_start3A_177 = tpu.memref_slice %arg3[%dma_start3A_176, %mul3A_175] : memref<2x320000xi32, #tpu.memory_space<hbm>> -> memref<2x128xi32, #tpu.memory_space<hbm>>
          %dma_start3A_178 = arith.constant 0 : i32
          %dma_start3A_179 = tpu.memref_slice %arg3[%dma_start3A_178, %mul3A_175] : memref<2x320000xi32, #tpu.memory_space<hbm>> -> memref<2x128xi32, #tpu.memory_space<hbm>>
          tpu.enqueue_dma source(%dma_start3A_179 : memref<2x128xi32, #tpu.memory_space<hbm>>) target(%arg7 : memref<2x128xi32, #tpu.memory_space<vmem>>) target_semaphore(%arg14 : memref<!tpu.dma_semaphore, #tpu.memory_space<semaphore_mem>>)
        } else {
        }
      } else {
      }
      %eq3A_147 = arith.constant 3 : i32
      %eq3A_148 = arith.cmpi eq, %rem3A_134, %eq3A_147 : i32
      %convert_element_type3A_149 = arith.extui %eq3A_148 : i1 to i32
      %cond3A_150 = arith.constant 0 : i32
      %cond3A_151 = arith.cmpi ne, %convert_element_type3A_149, %cond3A_150 : i32
      scf.if %cond3A_151 {
        %add3A_153 = arith.constant 1 : i32
        %add3A_154 = arith.addi %while3A_132, %add3A_153 : i32
        %lt3A_155 = arith.cmpi slt, %add3A_154, %add3A_8 : i32
        %convert_element_type3A_156 = arith.extui %lt3A_155 : i1 to i32
        %cond3A_157 = arith.constant 0 : i32
        %cond3A_158 = arith.cmpi ne, %convert_element_type3A_156, %cond3A_157 : i32
        scf.if %cond3A_158 {
          %dma_wait3A_171 = arith.constant 0 : i32
          %dma_wait3A_172 = arith.constant 0 : i32
          %dma_wait3A_173 = tpu.memref_slice %arg3[%dma_wait3A_171, %dma_wait3A_172] : memref<2x320000xi32, #tpu.memory_space<hbm>> -> memref<2x128xi32, #tpu.memory_space<hbm>>
          %dma_wait3A_174 = arith.constant 0 : i32
          %dma_wait3A_175 = arith.constant 0 : i32
          %dma_wait3A_176 = tpu.memref_slice %arg3[%dma_wait3A_174, %dma_wait3A_175] : memref<2x320000xi32, #tpu.memory_space<hbm>> -> memref<2x128xi32, #tpu.memory_space<hbm>>
          tpu.wait_dma2 semaphore(%arg12 : memref<!tpu.dma_semaphore, #tpu.memory_space<semaphore_mem>>) src(%dma_wait3A_176 : memref<2x128xi32, #tpu.memory_space<hbm>>) dst(%arg5 : memref<2x128xi32, #tpu.memory_space<vmem>>)
          %dma_start3A_177 = arith.constant 0 : i32
          %dma_start3A_178 = arith.constant 0 : i32
          %dma_start3A_179 = tpu.memref_slice %arg5[%dma_start3A_177, %dma_start3A_178] : memref<2x128xi32, #tpu.memory_space<vmem>> -> memref<1x128xi32, #tpu.memory_space<vmem>>
          %dma_start3A_180 = tpu.memref_squeeze %dma_start3A_179 : memref<1x128xi32, #tpu.memory_space<vmem>> -> memref<128xi32, #tpu.memory_space<vmem>>
          %dma_start3A_181 = arith.constant 0 : i32
          %dma_start3A_182 = arith.constant 0 : i32
          %dma_start3A_183 = tpu.memref_slice %arg2[%dma_start3A_181, %dma_start3A_182] : memref<10000x128xf32, #tpu.memory_space<hbm>> -> memref<10000x128xf32, #tpu.memory_space<hbm>>
          tpu.enqueue_indirect_dma source(%dma_start3A_183 : memref<10000x128xf32, #tpu.memory_space<hbm>>) target(%arg9 : memref<128x128xf32, #tpu.memory_space<vmem>>) offsets(%dma_start3A_180 : memref<128xi32, #tpu.memory_space<vmem>>) semaphore(%arg16 : memref<!tpu.dma_semaphore, #tpu.memory_space<semaphore_mem>>)
        } else {
        }
        %dma_wait3A_159 = arith.constant 0 : i32
        %dma_wait3A_160 = arith.constant 0 : i32
        %dma_wait3A_161 = tpu.memref_slice %arg2[%dma_wait3A_159, %dma_wait3A_160] : memref<10000x128xf32, #tpu.memory_space<hbm>> -> memref<128x128xf32, #tpu.memory_space<hbm>>
        %dma_wait3A_162 = arith.constant 0 : i32
        %dma_wait3A_163 = arith.constant 0 : i32
        %dma_wait3A_164 = tpu.memref_slice %arg2[%dma_wait3A_162, %dma_wait3A_163] : memref<10000x128xf32, #tpu.memory_space<hbm>> -> memref<128x128xf32, #tpu.memory_space<hbm>>
        tpu.wait_dma2 semaphore(%arg17 : memref<!tpu.dma_semaphore, #tpu.memory_space<semaphore_mem>>) src(%dma_wait3A_164 : memref<128x128xf32, #tpu.memory_space<hbm>>) dst(%arg10 : memref<128x128xf32, #tpu.memory_space<vmem>>)
        %run_scoped3A = arith.constant 1 : i32
        "tpu.region"() ({
          %run_scoped3A_171 = tpu.sem_alloc : memref<!tpu.dma_semaphore, #tpu.memory_space<semaphore_mem>>
          %dma_start3A_172 = arith.constant 0 : i32
          %dma_start3A_173 = tpu.memref_slice %arg8[%run_scoped3A, %dma_start3A_172] : memref<2x128xi32, #tpu.memory_space<vmem>> -> memref<1x128xi32, #tpu.memory_space<vmem>>
          %dma_start3A_174 = tpu.memref_squeeze %dma_start3A_173 : memref<1x128xi32, #tpu.memory_space<vmem>> -> memref<128xi32, #tpu.memory_space<vmem>>
          %dma_start3A_175 = arith.constant 0 : i32
          %dma_start3A_176 = arith.constant 0 : i32
          %dma_start3A_177 = tpu.memref_slice %arg11[%dma_start3A_175, %dma_start3A_176] : memref<10240x128xf32, #tpu.memory_space<vmem_shared>> -> memref<10240x128xf32, #tpu.memory_space<vmem_shared>>
          tpu.enqueue_indirect_dma source(%arg10 : memref<128x128xf32, #tpu.memory_space<vmem>>) target(%dma_start3A_177 : memref<10240x128xf32, #tpu.memory_space<vmem_shared>>) offsets(%dma_start3A_174 : memref<128xi32, #tpu.memory_space<vmem>>) semaphore(%run_scoped3A_171 : memref<!tpu.dma_semaphore, #tpu.memory_space<semaphore_mem>>) {add = true}
          %dma_wait3A_178 = arith.constant 0 : i32
          %dma_wait3A_179 = tpu.memref_slice %arg8[%run_scoped3A, %dma_wait3A_178] : memref<2x128xi32, #tpu.memory_space<vmem>> -> memref<1x128xi32, #tpu.memory_space<vmem>>
          %dma_wait3A_180 = tpu.memref_squeeze %dma_wait3A_179 : memref<1x128xi32, #tpu.memory_space<vmem>> -> memref<128xi32, #tpu.memory_space<vmem>>
          %dma_wait3A_181 = arith.constant 0 : i32
          %dma_wait3A_182 = arith.constant 0 : i32
          %dma_wait3A_183 = tpu.memref_slice %arg11[%dma_wait3A_181, %dma_wait3A_182] : memref<10240x128xf32, #tpu.memory_space<vmem_shared>> -> memref<10240x128xf32, #tpu.memory_space<vmem_shared>>
          tpu.wait_indirect_dma semaphore(%run_scoped3A_171 : memref<!tpu.dma_semaphore, #tpu.memory_space<semaphore_mem>>) src(%arg10 : memref<128x128xf32, #tpu.memory_space<vmem>>) dst(%dma_wait3A_183 : memref<10240x128xf32, #tpu.memory_space<vmem_shared>>)
          tpu.yield
        }) : () -> ()
        %add3A_165 = arith.constant 4 : i32
        %add3A_166 = arith.addi %while3A_132, %add3A_165 : i32
        %lt3A_167 = arith.cmpi slt, %add3A_166, %add3A_8 : i32
        %convert_element_type3A_168 = arith.extui %lt3A_167 : i1 to i32
        %cond3A_169 = arith.constant 0 : i32
        %cond3A_170 = arith.cmpi ne, %convert_element_type3A_168, %cond3A_169 : i32
        scf.if %cond3A_170 {
          %add3A_171 = arith.addi %add3A_4, %while3A_132 : i32
          %add3A_172 = arith.constant 4 : i32
          %add3A_173 = arith.addi %add3A_171, %add3A_172 : i32
          %mul3A_174 = arith.constant 128 : i32
          %mul3A_175 = arith.muli %add3A_173, %mul3A_174 : i32
          %dma_start3A_176 = arith.constant 0 : i32
          %dma_start3A_177 = tpu.memref_slice %arg3[%dma_start3A_176, %mul3A_175] : memref<2x320000xi32, #tpu.memory_space<hbm>> -> memref<2x128xi32, #tpu.memory_space<hbm>>
          %dma_start3A_178 = arith.constant 0 : i32
          %dma_start3A_179 = tpu.memref_slice %arg3[%dma_start3A_178, %mul3A_175] : memref<2x320000xi32, #tpu.memory_space<hbm>> -> memref<2x128xi32, #tpu.memory_space<hbm>>
          tpu.enqueue_dma source(%dma_start3A_179 : memref<2x128xi32, #tpu.memory_space<hbm>>) target(%arg8 : memref<2x128xi32, #tpu.memory_space<vmem>>) target_semaphore(%arg15 : memref<!tpu.dma_semaphore, #tpu.memory_space<semaphore_mem>>)
        } else {
        }
      } else {
      }
      %while3A_152 = arith.constant 0 : i32
      scf.yield %while3A_152 : i32
    }
    %barrier3A_127 = arith.constant 0 : index
    tpu.barrier barrier_id(%barrier3A_127)
    %mul3A_128 = arith.constant 640 : i32
    %mul3A_129 = arith.muli %arg1, %mul3A_128 : i32
    %mul3A_130 = arith.constant 640 : i32
    %mul3A_131 = arith.muli %arg1, %mul3A_130 : i32
    "tpu.region"() ({
      %run_scoped3A = tpu.sem_alloc : memref<!tpu.dma_semaphore, #tpu.memory_space<semaphore_mem>>
      %dma_start3A_132 = arith.constant 0 : i32
      %dma_start3A_133 = tpu.memref_slice %arg4[%arg0, %mul3A_131, %dma_start3A_132] : memref<2x10240x128xf32, #tpu.memory_space<hbm>> -> memref<1x640x128xf32, #tpu.memory_space<hbm>>
      %dma_start3A_134 = tpu.memref_squeeze %dma_start3A_133 : memref<1x640x128xf32, #tpu.memory_space<hbm>> -> memref<640x128xf32, #tpu.memory_space<hbm>>
      %dma_start3A_135 = arith.constant 0 : i32
      %dma_start3A_136 = tpu.memref_slice %arg11[%mul3A_129, %dma_start3A_135] : memref<10240x128xf32, #tpu.memory_space<vmem_shared>> -> memref<640x128xf32, #tpu.memory_space<vmem_shared>>
      tpu.enqueue_dma source(%dma_start3A_136 : memref<640x128xf32, #tpu.memory_space<vmem_shared>>) target(%dma_start3A_134 : memref<640x128xf32, #tpu.memory_space<hbm>>) target_semaphore(%run_scoped3A : memref<!tpu.dma_semaphore, #tpu.memory_space<semaphore_mem>>)
      %dma_wait3A_137 = arith.constant 0 : i32
      %dma_wait3A_138 = tpu.memref_slice %arg4[%arg0, %mul3A_131, %dma_wait3A_137] : memref<2x10240x128xf32, #tpu.memory_space<hbm>> -> memref<1x640x128xf32, #tpu.memory_space<hbm>>
      %dma_wait3A_139 = tpu.memref_squeeze %dma_wait3A_138 : memref<1x640x128xf32, #tpu.memory_space<hbm>> -> memref<640x128xf32, #tpu.memory_space<hbm>>
      %dma_wait3A_140 = arith.constant 0 : i32
      %dma_wait3A_141 = tpu.memref_slice %arg11[%mul3A_129, %dma_wait3A_140] : memref<10240x128xf32, #tpu.memory_space<vmem_shared>> -> memref<640x128xf32, #tpu.memory_space<vmem_shared>>
      tpu.wait_dma2 semaphore(%run_scoped3A : memref<!tpu.dma_semaphore, #tpu.memory_space<semaphore_mem>>) src(%dma_wait3A_141 : memref<640x128xf32, #tpu.memory_space<vmem_shared>>) dst(%dma_wait3A_139 : memref<640x128xf32, #tpu.memory_space<hbm>>)
      tpu.yield
    }) : () -> ()
    return
  }
}

module attributes {stable_mosaic.version = 14 : i64} {
  func.func @body(%arg0: i32, %arg1: memref<1000x128xf32, #tpu.memory_space<vmem>>, %arg2: memref<128x128xf32, #tpu.memory_space<vmem>>, %arg3: memref<128x128xf32, #tpu.memory_space<vmem>>, %arg4: memref<1x128xf32, #tpu.memory_space<vmem>>, %arg5: memref<1x128xf32, #tpu.memory_space<vmem>>, %arg6: memref<1000x128xf32, #tpu.memory_space<vmem>>) attributes {dimension_semantics = [#tpu.dimension_semantics<arbitrary>], iteration_bounds = array<i64: 10>, scalar_prefetch = 0 : i64, scratch_operands = 0 : i64, tpu.core_type = #tpu.core_type<tc>, window_params = [{transform_indices = @transform_0, window_bounds = array<i64: 1000, 128>}, {pipeline_mode = #tpu.pipeline_mode<synchronous>, transform_indices = @transform_1, window_bounds = array<i64: 128, 128>}, {pipeline_mode = #tpu.pipeline_mode<synchronous>, transform_indices = @transform_2, window_bounds = array<i64: 128, 128>}, {pipeline_mode = #tpu.pipeline_mode<synchronous>, transform_indices = @transform_3, window_bounds = array<i64: 1, 128>}, {pipeline_mode = #tpu.pipeline_mode<synchronous>, transform_indices = @transform_4, window_bounds = array<i64: 1, 128>}, {transform_indices = @transform_5, window_bounds = array<i64: 1000, 128>}]} {
    %get3A = arith.constant 0 : index
    %get3A_0 = arith.constant 0 : index
    %get3A_1 = vector.load %arg1[%get3A, %get3A_0] : memref<1000x128xf32, #tpu.memory_space<vmem>>, vector<1000x128xf32>
    %get3A_2 = arith.constant 0 : index
    %get3A_3 = arith.constant 0 : index
    %get3A_4 = vector.load %arg2[%get3A_2, %get3A_3] : memref<128x128xf32, #tpu.memory_space<vmem>>, vector<128x128xf32>
    %dot_general3A = arith.constant dense<0.000000e+00> : vector<1000x128xf32>
    %dot_general3A_5 = tpu.matmul %get3A_1, %get3A_4, %dot_general3A {dimension_numbers = #tpu.dot_dimension_numbers<[1], [0], [0], [1], [0, 0, 1, 1], [], []>, transpose_lhs_hint = false} : vector<1000x128xf32>, vector<128x128xf32>, vector<1000x128xf32> -> vector<1000x128xf32>
    %get3A_6 = arith.constant 0 : index
    %get3A_7 = arith.constant 0 : index
    %get3A_8 = vector.load %arg4[%get3A_6, %get3A_7] : memref<1x128xf32, #tpu.memory_space<vmem>>, vector<1x128xf32>
    %add3A = vector.broadcast %get3A_8 : vector<1x128xf32> to vector<1000x128xf32>
    %add3A_9 = arith.addf %dot_general3A_5, %add3A : vector<1000x128xf32>
    %get3A_10 = arith.constant 0 : index
    %get3A_11 = arith.constant 0 : index
    %get3A_12 = vector.load %arg3[%get3A_10, %get3A_11] : memref<128x128xf32, #tpu.memory_space<vmem>>, vector<128x128xf32>
    %dot_general3A_13 = arith.constant dense<0.000000e+00> : vector<1000x128xf32>
    %dot_general3A_14 = tpu.matmul %add3A_9, %get3A_12, %dot_general3A_13 {dimension_numbers = #tpu.dot_dimension_numbers<[1], [0], [0], [1], [0, 0, 1, 1], [], []>, transpose_lhs_hint = false} : vector<1000x128xf32>, vector<128x128xf32>, vector<1000x128xf32> -> vector<1000x128xf32>
    %add3A_15 = arith.addf %add3A_9, %dot_general3A_14 : vector<1000x128xf32>
    %get3A_16 = arith.constant 0 : index
    %get3A_17 = arith.constant 0 : index
    %get3A_18 = vector.load %arg5[%get3A_16, %get3A_17] : memref<1x128xf32, #tpu.memory_space<vmem>>, vector<1x128xf32>
    %add3A_19 = vector.broadcast %get3A_18 : vector<1x128xf32> to vector<1000x128xf32>
    %add3A_20 = arith.addf %add3A_15, %add3A_19 : vector<1000x128xf32>
    %swap3A = arith.constant 0 : index
    %swap3A_21 = arith.constant 0 : index
    %swap3A_22 = vector.load %arg6[%swap3A, %swap3A_21] : memref<1000x128xf32, #tpu.memory_space<vmem>>, vector<1000x128xf32>
    tpu.vector_store %arg6[%swap3A, %swap3A_21], %add3A_20 {strides = array<i32>} : memref<1000x128xf32, #tpu.memory_space<vmem>>, vector<1000x128xf32>,
    return
  }
  func.func @transform_0(%arg0: i32) -> (i32, i32) {
    %c0_i32 = arith.constant 0 : i32
    %c0_i32_0 = arith.constant 0 : i32
    return %arg0, %c0_i32 : i32, i32
  }
  func.func @transform_1(%arg0: i32) -> (i32, i32) {
    %c0_i32 = arith.constant 0 : i32
    %c0_i32_0 = arith.constant 0 : i32
    %c0_i32_1 = arith.constant 0 : i32
    return %c0_i32, %c0_i32_0 : i32, i32
  }
  func.func @transform_2(%arg0: i32) -> (i32, i32) {
    %c0_i32 = arith.constant 0 : i32
    %c0_i32_0 = arith.constant 0 : i32
    %c0_i32_1 = arith.constant 0 : i32
    return %c0_i32, %c0_i32_0 : i32, i32
  }
  func.func @transform_3(%arg0: i32) -> (i32, i32) {
    %c0_i32 = arith.constant 0 : i32
    %c0_i32_0 = arith.constant 0 : i32
    %c0_i32_1 = arith.constant 0 : i32
    return %c0_i32, %c0_i32_0 : i32, i32
  }
  func.func @transform_4(%arg0: i32) -> (i32, i32) {
    %c0_i32 = arith.constant 0 : i32
    %c0_i32_0 = arith.constant 0 : i32
    %c0_i32_1 = arith.constant 0 : i32
    return %c0_i32, %c0_i32_0 : i32, i32
  }
  func.func @transform_5(%arg0: i32) -> (i32, i32) {
    %c0_i32 = arith.constant 0 : i32
    %c0_i32_0 = arith.constant 0 : i32
    return %arg0, %c0_i32 : i32, i32
  }
}

module attributes {stable_mosaic.version = 14 : i64} {
  func.func @body(%arg0: i32, %arg1: memref<1x1000x128xf32, #tpu.memory_space<vmem>>, %arg2: memref<1x1000x128xf32, #tpu.memory_space<vmem>>, %arg3: memref<1000x128xf32, #tpu.memory_space<vmem>>, %arg4: memref<128x128xf32, #tpu.memory_space<vmem>>, %arg5: memref<128x128xf32, #tpu.memory_space<vmem>>, %arg6: memref<1x128xf32, #tpu.memory_space<vmem>>, %arg7: memref<1x128xf32, #tpu.memory_space<vmem>>, %arg8: memref<1x128xf32, #tpu.memory_space<vmem>>, %arg9: memref<1x128xf32, #tpu.memory_space<vmem>>, %arg10: memref<1x128xf32, #tpu.memory_space<vmem>>, %arg11: memref<40x128xf32, #tpu.memory_space<vmem>>, %arg12: memref<40x1xf32, #tpu.memory_space<vmem>>, %arg13: memref<40x1024xf32, #tpu.memory_space<vmem>>, %arg14: memref<10240x128xf32, #tpu.memory_space<vmem>>, %arg15: memref<8x128xf32, #tpu.memory_space<vmem>>) attributes {dimension_semantics = [#tpu.dimension_semantics<arbitrary>], iteration_bounds = array<i64: 20>, scalar_prefetch = 0 : i64, scratch_operands = 2 : i64, tpu.core_type = #tpu.core_type<tc>, window_params = [{transform_indices = @transform_0, window_bounds = array<i64: 1, 1000, 128>}, {transform_indices = @transform_1, window_bounds = array<i64: 1, 1000, 128>}, {transform_indices = @transform_2, window_bounds = array<i64: 1000, 128>}, {pipeline_mode = #tpu.pipeline_mode<synchronous>, transform_indices = @transform_3, window_bounds = array<i64: 128, 128>}, {pipeline_mode = #tpu.pipeline_mode<synchronous>, transform_indices = @transform_4, window_bounds = array<i64: 128, 128>}, {pipeline_mode = #tpu.pipeline_mode<synchronous>, transform_indices = @transform_5, window_bounds = array<i64: 1, 128>}, {pipeline_mode = #tpu.pipeline_mode<synchronous>, transform_indices = @transform_6, window_bounds = array<i64: 1, 128>}, {pipeline_mode = #tpu.pipeline_mode<synchronous>, transform_indices = @transform_7, window_bounds = array<i64: 1, 128>}, {pipeline_mode = #tpu.pipeline_mode<synchronous>, transform_indices = @transform_8, window_bounds = array<i64: 1, 128>}, {pipeline_mode = #tpu.pipeline_mode<synchronous>, transform_indices = @transform_9, window_bounds = array<i64: 1, 128>}, {pipeline_mode = #tpu.pipeline_mode<synchronous>, transform_indices = @transform_10, window_bounds = array<i64: 40, 128>}, {pipeline_mode = #tpu.pipeline_mode<synchronous>, transform_indices = @transform_11, window_bounds = array<i64: 40, 1>}, {transform_indices = @transform_12, window_bounds = array<i64: 40, 1024>}]} {
    %lt3A = arith.constant 10 : i32
    %lt3A_0 = arith.cmpi slt, %arg0, %lt3A : i32
    %convert_element_type3A = arith.extui %lt3A_0 : i1 to i32
    %cond3A = arith.constant 0 : i32
    %cond3A_1 = arith.cmpi ne, %convert_element_type3A, %cond3A : i32
    scf.if %cond3A_1 {
      %get3A = arith.constant 0 : index
      %get3A_10 = arith.constant 0 : index
      %get3A_11 = arith.constant 0 : index
      %get3A_12 = vector.load %arg1[%get3A, %get3A_10, %get3A_11] : memref<1x1000x128xf32, #tpu.memory_space<vmem>>, vector<1x1000x128xf32>
      %get3A_13 = vector.shape_cast %get3A_12 : vector<1x1000x128xf32> to vector<1000x128xf32>
      %get3A_14 = arith.constant 0 : index
      %get3A_15 = arith.constant 0 : index
      %get3A_16 = arith.constant 0 : index
      %get3A_17 = vector.load %arg2[%get3A_14, %get3A_15, %get3A_16] : memref<1x1000x128xf32, #tpu.memory_space<vmem>>, vector<1x1000x128xf32>
      %get3A_18 = vector.shape_cast %get3A_17 : vector<1x1000x128xf32> to vector<1000x128xf32>
      %add3A = arith.addf %get3A_13, %get3A_18 : vector<1000x128xf32>
      %get3A_19 = arith.constant 0 : index
      %get3A_20 = arith.constant 0 : index
      %get3A_21 = vector.load %arg6[%get3A_19, %get3A_20] : memref<1x128xf32, #tpu.memory_space<vmem>>, vector<1x128xf32>
      %add3A_22 = vector.broadcast %get3A_21 : vector<1x128xf32> to vector<1000x128xf32>
      %add3A_23 = arith.addf %add3A, %add3A_22 : vector<1000x128xf32>
      %get3A_24 = arith.constant 0 : index
      %get3A_25 = arith.constant 0 : index
      %get3A_26 = vector.load %arg4[%get3A_24, %get3A_25] : memref<128x128xf32, #tpu.memory_space<vmem>>, vector<128x128xf32>
      %dot_general3A = arith.constant dense<0.000000e+00> : vector<1000x128xf32>
      %dot_general3A_27 = tpu.matmul %add3A_23, %get3A_26, %dot_general3A {dimension_numbers = #tpu.dot_dimension_numbers<[1], [0], [0], [1], [0, 0, 1, 1], [], []>, transpose_lhs_hint = false} : vector<1000x128xf32>, vector<128x128xf32>, vector<1000x128xf32> -> vector<1000x128xf32>
      %add3A_28 = arith.addf %add3A_23, %dot_general3A_27 : vector<1000x128xf32>
      %get3A_29 = arith.constant 0 : index
      %get3A_30 = arith.constant 0 : index
      %get3A_31 = vector.load %arg7[%get3A_29, %get3A_30] : memref<1x128xf32, #tpu.memory_space<vmem>>, vector<1x128xf32>
      %add3A_32 = vector.broadcast %get3A_31 : vector<1x128xf32> to vector<1000x128xf32>
      %add3A_33 = arith.addf %add3A_28, %add3A_32 : vector<1000x128xf32>
      %get3A_34 = arith.constant 0 : index
      %get3A_35 = arith.constant 0 : index
      %get3A_36 = vector.load %arg3[%get3A_34, %get3A_35] : memref<1000x128xf32, #tpu.memory_space<vmem>>, vector<1000x128xf32>
      %add3A_37 = arith.addf %add3A_33, %get3A_36 : vector<1000x128xf32>
      %max3A = arith.constant 0.000000e+00 : f32
      %max3A_38 = vector.broadcast %max3A : f32 to vector<1000x128xf32>
      %max3A_39 = arith.maximumf %add3A_37, %max3A_38 : vector<1000x128xf32>
      %get3A_40 = arith.constant 0 : index
      %get3A_41 = arith.constant 0 : index
      %get3A_42 = vector.load %arg5[%get3A_40, %get3A_41] : memref<128x128xf32, #tpu.memory_space<vmem>>, vector<128x128xf32>
      %dot_general3A_43 = arith.constant dense<0.000000e+00> : vector<1000x128xf32>
      %dot_general3A_44 = tpu.matmul %max3A_39, %get3A_42, %dot_general3A_43 {dimension_numbers = #tpu.dot_dimension_numbers<[1], [0], [0], [1], [0, 0, 1, 1], [], []>, transpose_lhs_hint = false} : vector<1000x128xf32>, vector<128x128xf32>, vector<1000x128xf32> -> vector<1000x128xf32>
      %get3A_45 = arith.constant 0 : index
      %get3A_46 = arith.constant 0 : index
      %get3A_47 = vector.load %arg8[%get3A_45, %get3A_46] : memref<1x128xf32, #tpu.memory_space<vmem>>, vector<1x128xf32>
      %add3A_48 = vector.broadcast %get3A_47 : vector<1x128xf32> to vector<1000x128xf32>
      %add3A_49 = arith.addf %dot_general3A_44, %add3A_48 : vector<1000x128xf32>
      %max3A_50 = arith.constant 0.000000e+00 : f32
      %max3A_51 = vector.broadcast %max3A_50 : f32 to vector<1000x128xf32>
      %max3A_52 = arith.maximumf %add3A_49, %max3A_51 : vector<1000x128xf32>
      %mul3A = arith.constant 1000 : i32
      %mul3A_53 = arith.muli %arg0, %mul3A : i32
      %swap3A = arith.index_cast %mul3A_53 : i32 to index
      %swap3A_54 = arith.constant 0 : index
      %swap3A_55 = vector.load %arg14[%swap3A, %swap3A_54] : memref<10240x128xf32, #tpu.memory_space<vmem>>, vector<1000x128xf32>
      tpu.vector_store %arg14[%swap3A, %swap3A_54], %max3A_52 {strides = array<i32>} : memref<10240x128xf32, #tpu.memory_space<vmem>>, vector<1000x128xf32>,
      %reduce_sum3A = arith.constant dense<0.000000e+00> : vector<128xf32>
      %reduce_sum3A_56 = vector.multi_reduction <add>, %max3A_52, %reduce_sum3A [0] : vector<1000x128xf32> to vector<128xf32>
      %broadcast_in_dim3A = vector.shape_cast %reduce_sum3A_56 : vector<128xf32> to vector<1x128xf32>
      %mul3A_57 = arith.mulf %max3A_52, %max3A_52 : vector<1000x128xf32>
      %reduce_sum3A_58 = arith.constant dense<0.000000e+00> : vector<128xf32>
      %reduce_sum3A_59 = vector.multi_reduction <add>, %mul3A_57, %reduce_sum3A_58 [0] : vector<1000x128xf32> to vector<128xf32>
      %broadcast_in_dim3A_60 = vector.shape_cast %reduce_sum3A_59 : vector<128xf32> to vector<1x128xf32>
      %broadcast_in_dim3A_61 = arith.constant 0.000000e+00 : f32
      %broadcast_in_dim3A_62 = vector.broadcast %broadcast_in_dim3A_61 : f32 to vector<6x128xf32>
      %concatenate3A = tpu.concatenate %broadcast_in_dim3A, %broadcast_in_dim3A_60, %broadcast_in_dim3A_62 in 0 : vector<1x128xf32>, vector<1x128xf32>, vector<6x128xf32> -> vector<8x128xf32>
      %eq3A_63 = arith.constant 0 : i32
      %eq3A_64 = arith.cmpi eq, %arg0, %eq3A_63 : i32
      %convert_element_type3A_65 = arith.extui %eq3A_64 : i1 to i32
      %cond3A_66 = arith.constant 0 : i32
      %cond3A_67 = arith.cmpi ne, %convert_element_type3A_65, %cond3A_66 : i32
      scf.if %cond3A_67 {
        %swap3A_72 = arith.constant 0 : index
        %swap3A_73 = arith.constant 0 : index
        %swap3A_74 = vector.load %arg15[%swap3A_72, %swap3A_73] : memref<8x128xf32, #tpu.memory_space<vmem>>, vector<8x128xf32>
        tpu.vector_store %arg15[%swap3A_72, %swap3A_73], %concatenate3A {strides = array<i32>} : memref<8x128xf32, #tpu.memory_space<vmem>>, vector<8x128xf32>,
      } else {
      }
      %gt3A = arith.constant 0 : i32
      %gt3A_68 = arith.cmpi sgt, %arg0, %gt3A : i32
      %convert_element_type3A_69 = arith.extui %gt3A_68 : i1 to i32
      %cond3A_70 = arith.constant 0 : i32
      %cond3A_71 = arith.cmpi ne, %convert_element_type3A_69, %cond3A_70 : i32
      scf.if %cond3A_71 {
        %get3A_72 = arith.constant 0 : index
        %get3A_73 = arith.constant 0 : index
        %get3A_74 = vector.load %arg15[%get3A_72, %get3A_73] : memref<8x128xf32, #tpu.memory_space<vmem>>, vector<8x128xf32>
        %add3A_75 = arith.addf %get3A_74, %concatenate3A : vector<8x128xf32>
        %swap3A_76 = arith.constant 0 : index
        %swap3A_77 = arith.constant 0 : index
        %swap3A_78 = vector.load %arg15[%swap3A_76, %swap3A_77] : memref<8x128xf32, #tpu.memory_space<vmem>>, vector<8x128xf32>
        tpu.vector_store %arg15[%swap3A_76, %swap3A_77], %add3A_75 {strides = array<i32>} : memref<8x128xf32, #tpu.memory_space<vmem>>, vector<8x128xf32>,
      } else {
      }
    } else {
    }
    %eq3A = arith.constant 0 : i32
    %eq3A_2 = arith.cmpi eq, %arg0, %eq3A : i32
    %convert_element_type3A_3 = arith.extui %eq3A_2 : i1 to i32
    %cond3A_4 = arith.constant 0 : i32
    %cond3A_5 = arith.cmpi ne, %convert_element_type3A_3, %cond3A_4 : i32
    scf.if %cond3A_5 {
      %broadcast_in_dim3A = arith.constant 0.000000e+00 : f32
      %broadcast_in_dim3A_10 = vector.broadcast %broadcast_in_dim3A : f32 to vector<240x128xf32>
      %swap3A = arith.constant 10000 : index
      %swap3A_11 = arith.constant 0 : index
      %swap3A_12 = vector.load %arg14[%swap3A, %swap3A_11] : memref<10240x128xf32, #tpu.memory_space<vmem>>, vector<240x128xf32>
      tpu.vector_store %arg14[%swap3A, %swap3A_11], %broadcast_in_dim3A_10 {strides = array<i32>} : memref<10240x128xf32, #tpu.memory_space<vmem>>, vector<240x128xf32>,
    } else {
    }
    %ge3A = arith.constant 10 : i32
    %ge3A_6 = arith.cmpi sge, %arg0, %ge3A : i32
    %convert_element_type3A_7 = arith.extui %ge3A_6 : i1 to i32
    %cond3A_8 = arith.constant 0 : i32
    %cond3A_9 = arith.cmpi ne, %convert_element_type3A_7, %cond3A_8 : i32
    scf.if %cond3A_9 {
      %sub3A = arith.constant 10 : i32
      %sub3A_10 = arith.subi %arg0, %sub3A : i32
      %get3A = arith.constant 0 : index
      %get3A_11 = arith.constant 0 : index
      %get3A_12 = vector.load %arg15[%get3A, %get3A_11] : memref<8x128xf32, #tpu.memory_space<vmem>>, vector<8x128xf32>
      %slice3A = vector.extract_strided_slice %get3A_12 {offsets = [0, 0], sizes = [1, 128], strides = [1, 1]} : vector<8x128xf32> to vector<1x128xf32>
      %mul3A = arith.constant 9.99999974E-5 : f32
      %mul3A_13 = vector.broadcast %mul3A : f32 to vector<1x128xf32>
      %mul3A_14 = arith.mulf %slice3A, %mul3A_13 : vector<1x128xf32>
      %slice3A_15 = vector.extract_strided_slice %get3A_12 {offsets = [1, 0], sizes = [1, 128], strides = [1, 1]} : vector<8x128xf32> to vector<1x128xf32>
      %mul3A_16 = arith.constant 9.99999974E-5 : f32
      %mul3A_17 = vector.broadcast %mul3A_16 : f32 to vector<1x128xf32>
      %mul3A_18 = arith.mulf %slice3A_15, %mul3A_17 : vector<1x128xf32>
      %mul3A_19 = arith.mulf %mul3A_14, %mul3A_14 : vector<1x128xf32>
      %sub3A_20 = arith.subf %mul3A_18, %mul3A_19 : vector<1x128xf32>
      %add3A = arith.constant 9.99999974E-6 : f32
      %add3A_21 = vector.broadcast %add3A : f32 to vector<1x128xf32>
      %add3A_22 = arith.addf %sub3A_20, %add3A_21 : vector<1x128xf32>
      %rsqrt3A = math.rsqrt %add3A_22 : vector<1x128xf32>
      %get3A_23 = arith.constant 0 : index
      %get3A_24 = arith.constant 0 : index
      %get3A_25 = vector.load %arg9[%get3A_23, %get3A_24] : memref<1x128xf32, #tpu.memory_space<vmem>>, vector<1x128xf32>
      %mul3A_26 = arith.mulf %rsqrt3A, %get3A_25 : vector<1x128xf32>
      %mul3A_27 = arith.constant 1024 : i32
      %mul3A_28 = arith.muli %sub3A_10, %mul3A_27 : i32
      %get3A_29 = arith.index_cast %mul3A_28 : i32 to index
      %get3A_30 = arith.constant 0 : index
      %get3A_31 = vector.load %arg14[%get3A_29, %get3A_30] : memref<10240x128xf32, #tpu.memory_space<vmem>>, vector<1024x128xf32>
      %sub3A_32 = vector.broadcast %mul3A_14 : vector<1x128xf32> to vector<1024x128xf32>
      %sub3A_33 = arith.subf %get3A_31, %sub3A_32 : vector<1024x128xf32>
      %mul3A_34 = vector.broadcast %mul3A_26 : vector<1x128xf32> to vector<1024x128xf32>
      %mul3A_35 = arith.mulf %sub3A_33, %mul3A_34 : vector<1024x128xf32>
      %get3A_36 = arith.constant 0 : index
      %get3A_37 = arith.constant 0 : index
      %get3A_38 = vector.load %arg10[%get3A_36, %get3A_37] : memref<1x128xf32, #tpu.memory_space<vmem>>, vector<1x128xf32>
      %add3A_39 = vector.broadcast %get3A_38 : vector<1x128xf32> to vector<1024x128xf32>
      %add3A_40 = arith.addf %mul3A_35, %add3A_39 : vector<1024x128xf32>
      %get3A_41 = arith.constant 0 : index
      %get3A_42 = arith.constant 0 : index
      %get3A_43 = vector.load %arg11[%get3A_41, %get3A_42] : memref<40x128xf32, #tpu.memory_space<vmem>>, vector<40x128xf32>
      %dot_general3A = arith.constant dense<0.000000e+00> : vector<40x1024xf32>
      %dot_general3A_44 = tpu.matmul %get3A_43, %add3A_40, %dot_general3A {dimension_numbers = #tpu.dot_dimension_numbers<[1], [1], [0], [0], [0, 0, 1, 0], [], []>, transpose_lhs_hint = false} : vector<40x128xf32>, vector<1024x128xf32>, vector<40x1024xf32> -> vector<40x1024xf32>
      %get3A_45 = arith.constant 0 : index
      %get3A_46 = arith.constant 0 : index
      %get3A_47 = vector.load %arg12[%get3A_45, %get3A_46] : memref<40x1xf32, #tpu.memory_space<vmem>>, vector<40x1xf32>
      %add3A_48 = vector.broadcast %get3A_47 : vector<40x1xf32> to vector<40x1024xf32>
      %add3A_49 = arith.addf %dot_general3A_44, %add3A_48 : vector<40x1024xf32>
      %reduce_max3A = arith.constant dense<0xFF800000> : vector<1024xf32>
      %reduce_max3A_50 = vector.multi_reduction <maximumf>, %add3A_49, %reduce_max3A [0] : vector<40x1024xf32> to vector<1024xf32>
      %broadcast_in_dim3A = vector.shape_cast %reduce_max3A_50 : vector<1024xf32> to vector<1x1024xf32>
      %sub3A_51 = vector.broadcast %broadcast_in_dim3A : vector<1x1024xf32> to vector<40x1024xf32>
      %sub3A_52 = arith.subf %add3A_49, %sub3A_51 : vector<40x1024xf32>
      %exp3A = math.exp %sub3A_52 : vector<40x1024xf32>
      %reduce_sum3A = arith.constant dense<0.000000e+00> : vector<1024xf32>
      %reduce_sum3A_53 = vector.multi_reduction <add>, %exp3A, %reduce_sum3A [0] : vector<40x1024xf32> to vector<1024xf32>
      %broadcast_in_dim3A_54 = vector.shape_cast %reduce_sum3A_53 : vector<1024xf32> to vector<1x1024xf32>
      %log3A = math.log %broadcast_in_dim3A_54 : vector<1x1024xf32>
      %sub3A_55 = vector.broadcast %broadcast_in_dim3A : vector<1x1024xf32> to vector<40x1024xf32>
      %sub3A_56 = arith.subf %add3A_49, %sub3A_55 : vector<40x1024xf32>
      %sub3A_57 = vector.broadcast %log3A : vector<1x1024xf32> to vector<40x1024xf32>
      %sub3A_58 = arith.subf %sub3A_56, %sub3A_57 : vector<40x1024xf32>
      %swap3A = arith.constant 0 : index
      %swap3A_59 = arith.constant 0 : index
      %swap3A_60 = vector.load %arg13[%swap3A, %swap3A_59] : memref<40x1024xf32, #tpu.memory_space<vmem>>, vector<40x1024xf32>
      tpu.vector_store %arg13[%swap3A, %swap3A_59], %sub3A_58 {strides = array<i32>} : memref<40x1024xf32, #tpu.memory_space<vmem>>, vector<40x1024xf32>,
    } else {
    }
    return
  }
  func.func @transform_0(%arg0: i32) -> (i32, i32, i32) {
    %min3A = arith.constant 9 : i32
    %min3A_0 = arith.minsi %arg0, %min3A : i32
    %c0_i32 = arith.constant 0 : i32
    %c0_i32_1 = arith.constant 0 : i32
    %c0_i32_2 = arith.constant 0 : i32
    return %c0_i32, %min3A_0, %c0_i32_1 : i32, i32, i32
  }
  func.func @transform_1(%arg0: i32) -> (i32, i32, i32) {
    %min3A = arith.constant 9 : i32
    %min3A_0 = arith.minsi %arg0, %min3A : i32
    %c1_i32 = arith.constant 1 : i32
    %c0_i32 = arith.constant 0 : i32
    %c0_i32_1 = arith.constant 0 : i32
    return %c1_i32, %min3A_0, %c0_i32 : i32, i32, i32
  }
  func.func @transform_2(%arg0: i32) -> (i32, i32) {
    %min3A = arith.constant 9 : i32
    %min3A_0 = arith.minsi %arg0, %min3A : i32
    %c0_i32 = arith.constant 0 : i32
    %c0_i32_1 = arith.constant 0 : i32
    return %min3A_0, %c0_i32 : i32, i32
  }
  func.func @transform_3(%arg0: i32) -> (i32, i32) {
    %c0_i32 = arith.constant 0 : i32
    %c0_i32_0 = arith.constant 0 : i32
    %c0_i32_1 = arith.constant 0 : i32
    return %c0_i32, %c0_i32_0 : i32, i32
  }
  func.func @transform_4(%arg0: i32) -> (i32, i32) {
    %c0_i32 = arith.constant 0 : i32
    %c0_i32_0 = arith.constant 0 : i32
    %c0_i32_1 = arith.constant 0 : i32
    return %c0_i32, %c0_i32_0 : i32, i32
  }
  func.func @transform_5(%arg0: i32) -> (i32, i32) {
    %c0_i32 = arith.constant 0 : i32
    %c0_i32_0 = arith.constant 0 : i32
    %c0_i32_1 = arith.constant 0 : i32
    return %c0_i32, %c0_i32_0 : i32, i32
  }
  func.func @transform_6(%arg0: i32) -> (i32, i32) {
    %c0_i32 = arith.constant 0 : i32
    %c0_i32_0 = arith.constant 0 : i32
    %c0_i32_1 = arith.constant 0 : i32
    return %c0_i32, %c0_i32_0 : i32, i32
  }
  func.func @transform_7(%arg0: i32) -> (i32, i32) {
    %c0_i32 = arith.constant 0 : i32
    %c0_i32_0 = arith.constant 0 : i32
    %c0_i32_1 = arith.constant 0 : i32
    return %c0_i32, %c0_i32_0 : i32, i32
  }
  func.func @transform_8(%arg0: i32) -> (i32, i32) {
    %c0_i32 = arith.constant 0 : i32
    %c0_i32_0 = arith.constant 0 : i32
    %c0_i32_1 = arith.constant 0 : i32
    return %c0_i32, %c0_i32_0 : i32, i32
  }
  func.func @transform_9(%arg0: i32) -> (i32, i32) {
    %c0_i32 = arith.constant 0 : i32
    %c0_i32_0 = arith.constant 0 : i32
    %c0_i32_1 = arith.constant 0 : i32
    return %c0_i32, %c0_i32_0 : i32, i32
  }
  func.func @transform_10(%arg0: i32) -> (i32, i32) {
    %c0_i32 = arith.constant 0 : i32
    %c0_i32_0 = arith.constant 0 : i32
    %c0_i32_1 = arith.constant 0 : i32
    return %c0_i32, %c0_i32_0 : i32, i32
  }
  func.func @transform_11(%arg0: i32) -> (i32, i32) {
    %c0_i32 = arith.constant 0 : i32
    %c0_i32_0 = arith.constant 0 : i32
    %c0_i32_1 = arith.constant 0 : i32
    return %c0_i32, %c0_i32_0 : i32, i32
  }
  func.func @transform_12(%arg0: i32) -> (i32, i32) {
    %sub3A = arith.constant 10 : i32
    %sub3A_0 = arith.subi %arg0, %sub3A : i32
    %max3A = arith.constant 0 : i32
    %max3A_1 = arith.maxsi %sub3A_0, %max3A : i32
    %c0_i32 = arith.constant 0 : i32
    %c0_i32_2 = arith.constant 0 : i32
    return %c0_i32, %max3A_1 : i32, i32
  }
}

</mosaic_0001>

<sc_bundles>
// kernel: kernel.5.cloned.1.call-start
scs
__scs_entry_jumppad:
0x0: {  	(pc) =	sbr.rel $0x88, $3  }
0x1: {  	(tag) =	ssettag $0x0;
	lr =	simm.s32 $0x1  }
0x2: {  	[smem:$0x3F91] =	sst lr;
	_ =	strace $0xD0000000  }
0x3: {  	_ = 	snop  }
0x4: {  	_ = 	snop  }
0x5: {  	_ = 	snop  }
0x6: {  	_ = 	snop  }
0x7: {  	_ = 	snop  }
__scs_overlays_trampoline_lowered:
0x8: {  	[smem:$0x3FA0] =	sst s0  }
0x9: {  	[smem:$0x3FA1] =	sst s1  }
0xa: {  	[smem:$0x3FA2] =	sst s2  }
0xb: {  	[smem:$0x3FA3] =	sst s3  }
0xc: {  	[smem:$0x3FA4] =	sst s4  }
0xd: {  	[smem:$0x3FA5] =	sst s5  }
0xe: {  	[smem:$0x3FA6] =	sst s6  }
0xf: {  	[smem:$0x3FA7] =	sst s7  }
0x10: {  	[smem:$0x3FA8] =	sst s8  }
0x11: {  	[smem:$0x3FA9] =	sst s9;
	s0 =	simm.s32 @!p0 $0x0  }
0x12: {  	s1 =	sld [smem:$0x3F8F];
	s0 =	simm.s32 @p0 $0x1  }
0x13: {  	[smem:$0x3FAA] =	sst s0;
	s0 =	simm.s32 @!p1 $0x0  }
0x14: {  	s2 =	sld [smem:$0x3F8E];
	s0 =	simm.s32 @p1 $0x1  }
0x15: {  	[smem:$0x3FAB] =	sst s0;
	s0 =	simm.s32 @!p2 $0x0  }
0x16: {  	s3 =	sld [smem:$0x3FDB];
	s0 =	simm.s32 @p2 $0x1  }
0x17: {  	s4 =	simm.s32 $0x1BF5;
	[smem:$0x3FAD] =	sst s0  }
0x18: {  	s0 =	sld [smem:$0x3F90];
	_ =	swait.ge [sflag:s4], $0x0  }
0x19: {  	s7 =	sld [smem:$0x3F91]  }
0x1a: {  	s8 =	sadd.s32 $0xFFFFE003, lr  }
0x1b: {  	s9 =	sadd.s32 $0xFFFFFEF7, lr;
	s5 =	simm.s32 $0xFFFFFFFF;
	p2 =	slt.u32 s8, $0xFFFFF086  }
0x1c: {  	p1 =	slt.u32 s9, $0xF7A;
	s5 =	simm.s32 @!p2 $0x0  }
0x1d: {  	s5 =	simm.s32 @p1 $0x1;
	p0 =	seq.s32 s7, s2  }
0x1e: {  	s7 =	smul.u32 @!p0 $0xF7A, s2;
	p2 =	seq.s32 @!p0 s5, $0x0  }
0x1f: {  	s9 =	smul.u32 $0xF7A, s1;
	s8 =	simm.s32 @!p0 $0x1BF5;
	p2 =	por !p2, p0  }
0x20: {  	[sflag:s8] =	ssyncset.s32 @!p0 $0xFFFFF086;
	s6 =	sadd.s32 @!p0 s3, s7;
	s7 =	simm.s32 @!p0 $0x108  }
0x21: {  	s3 =	sadd.s32 s3, s9;
	s6 =	sadd.s32 @!p0 $0x88, s6;
	s7 =	simm.s32 @p2 $0x1082  }
0x22: {  	[simem:s7], [sflag:s8] =	dma.local @!p0 [hbm:s6], $0xF7A  }
0x23: {  	s9 =	sor.u32 $0xD0000000, s2;
	s6 =	simm.s32 $0x108;
	_ =	swait.ge @!p0 [sflag:s8], $0x0  }
0x24: {  	s3 =	sadd.s32 $0x88, s3;
	s6 =	simm.s32 @!p1 $0x1082;
	[sflag:s4] =	ssyncset.s32 $0xFFFFF086  }
0x25: {  	[simem:s6], [sflag:s4] =	dma.local [hbm:s3], $0xF7A  }
0x26: {  	[smem:$0x3F91] =	sst s1;
	(tag) =	ssettag s2;
	_ =	strace s9  }
0x27: {  	s1 =	sld [smem:$0x3FA1]  }
0x28: {  	s2 =	sld [smem:$0x3FA2]  }
0x29: {  	s4 =	sld [smem:$0x3FA4]  }
0x2a: {  	p0 =	seq.s32 s5, $0x0;
	s5 =	sld [smem:$0x3FA5]  }
0x2b: {  	s6 =	sld [smem:$0x3FA6]  }
0x2c: {  	s7 =	sld [smem:$0x3FA7]  }
0x2d: {  	s3 =	simm.s32 $0x108;
	s8 =	sld [smem:$0x3FA8]  }
0x2e: {  	s3 =	simm.s32 @!p0 $0x1082;
	s9 =	sld [smem:$0x3FA9]  }
0x2f: {  	lr =	sadd.s32 s0, s3;
	s0 =	sld [smem:$0x3FA0]  }
0x30: {  	s3 =	sld [smem:$0x3FA3]  }
0x31: {  	[smem:$0x3FAC] =	sst s10  }
0x32: {  	s10 =	sld [smem:$0x3FAA];
	_ =	sdelay $0x3  }
0x33: {  	p0 =	seq.s32 s10, $0x1;
	s10 =	sld [smem:$0x3FAC];
	_ =	sdelay $0x3  }
0x34: {  	[smem:$0x3FAC] =	sst s10  }
0x35: {  	s10 =	sld [smem:$0x3FAB];
	_ =	sdelay $0x3  }
0x36: {  	p1 =	seq.s32 s10, $0x1;
	s10 =	sld [smem:$0x3FAC];
	_ =	sdelay $0x3  }
0x37: {  	[smem:$0x3FAC] =	sst s10  }
0x38: {  	s10 =	sld [smem:$0x3FAD]  }
0x39: {  	_ = 	snop;
	(pc) =	sbr.ind lr, $3  }
0x3a: {  	_ = 	snop  }
0x3b: {  	_ = 	snop  }
0x3c: {  	p2 =	seq.s32 s10, $0x1;
	s10 =	sld [smem:$0x3FAC]  }
0x3d: {  	_ =	shalt  }
0x3e: {  	_ =	shalt  }
0x3f: {  	_ =	shalt  }
0x40: {  	_ =	shalt  }
0x41: {  	_ =	shalt  }
0x42: {  	_ =	shalt  }
0x43: {  	_ =	shalt  }
0x44: {  	_ =	shalt  }
0x45: {  	_ =	shalt  }
0x46: {  	_ =	shalt  }
0x47: {  	_ =	shalt  }
0x48: {  	_ =	shalt  }
0x49: {  	_ =	shalt  }
0x4a: {  	_ =	shalt  }
0x4b: {  	_ =	shalt  }
0x4c: {  	_ =	shalt  }
0x4d: {  	_ =	shalt  }
0x4e: {  	_ =	shalt  }
0x4f: {  	_ =	shalt  }
0x50: {  	_ =	shalt  }
0x51: {  	_ =	shalt  }
0x52: {  	_ =	shalt  }
0x53: {  	_ =	shalt  }
0x54: {  	_ =	shalt  }
0x55: {  	_ =	shalt  }
0x56: {  	_ =	shalt  }
0x57: {  	_ =	shalt  }
0x58: {  	_ =	shalt  }
0x59: {  	_ =	shalt  }
0x5a: {  	_ =	shalt  }
0x5b: {  	_ =	shalt  }
0x5c: {  	_ =	shalt  }
0x5d: {  	_ =	shalt  }
0x5e: {  	_ =	shalt  }
0x5f: {  	_ =	shalt  }
0x60: {  	_ =	shalt  }
0x61: {  	_ =	shalt  }
0x62: {  	_ =	shalt  }
0x63: {  	_ =	shalt  }
0x64: {  	_ =	shalt  }
0x65: {  	_ =	shalt  }
0x66: {  	_ =	shalt  }
0x67: {  	_ =	shalt  }
0x68: {  	_ =	shalt  }
0x69: {  	_ =	shalt  }
0x6a: {  	_ =	shalt  }
0x6b: {  	_ =	shalt  }
0x6c: {  	_ =	shalt  }
0x6d: {  	_ =	shalt  }
0x6e: {  	_ =	shalt  }
0x6f: {  	_ =	shalt  }
0x70: {  	_ =	shalt  }
0x71: {  	_ =	shalt  }
0x72: {  	_ =	shalt  }
0x73: {  	_ =	shalt  }
0x74: {  	_ =	shalt  }
0x75: {  	_ =	shalt  }
0x76: {  	_ =	shalt  }
0x77: {  	_ =	shalt  }
0x78: {  	_ =	shalt  }
0x79: {  	_ =	shalt  }
0x7a: {  	_ =	shalt  }
0x7b: {  	_ =	shalt  }
0x7c: {  	_ =	shalt  }
0x7d: {  	_ =	shalt  }
0x7e: {  	_ =	shalt  }
0x7f: {  	_ =	shalt  }
0x80: {  	_ =	shalt  }
0x81: {  	_ =	shalt  }
0x82: {  	_ =	shalt  }
0x83: {  	_ =	shalt  }
0x84: {  	_ =	shalt  }
0x85: {  	_ =	shalt  }
0x86: {  	_ =	shalt  }
0x87: {  	_ =	shalt  }
.Lfunc_end0:
.L_simem_size_0:
called_computation_lowered:
.L_overlay_start_0:
0x88: {  	s2 =	sld [smem:$0x3FD9]  }
0x89: {  	s3 =	sld [smem:$0x3FFE];
	_ =	sdelay $0x1  }
0x8a: {  	s1 =	srdreg.scid  }
0x8b: {  	s0 =	sand.u32 $0x1, s1  }
0x8c: {  	s17 =	sshll.u32 s0, $0xA;
	s2 =	sadd.s32 s3, s2  }
0x8d: {  	s2 =	sadd.s32 s2, s17  }
0x8e: {  	[smem:$0x3FB8] =	sst s2  }
0x8f: {  	_ = 	snop  }
0x90: {  	s2 =	sld [smem:$0x3FC8]  }
0x91: {  	s18 =	sld [smem:$0x3FC7];
	(tm) =	ssettm $0x1  }
0x92: {  	s4 =	sld [smem:$0x3FFB];
	_ =	sdelay $0x3  }
0x93: {  	_ =	strace s4  }
0x94: {  	s4 =	sld [smem:$0x3FFC];
	_ =	sdelay $0x3  }
0x95: {  	_ =	strace s4  }
0x96: {  	s4 =	sld [smem:$0x3FFD];
	_ =	sdelay $0x3  }
0x97: {  	_ =	strace s4  }
0x98: {  	_ =	strace $0x8FFFFFFF  }
0x99: {  	s19 =	sld [smem:$0x3FDB];
	_ =	sdelay $0x1  }
0x9a: {  	s5 =	simm.s32 $_scs_section_size  }
0x9b: {  	s6 =	simm.s32 $_size__tile_overlayer_lowered;
	s7 =	simm.s32 $_tile_overlayer_lowered  }
0x9c: {  	s22 =	simm.s32 $0x1BFF;
	s21 =	sshll.u32 s7, $0x1;
	s4 =	sadd.s32 s5, s19  }
0x9d: {  	s8 =	simm.s32 $0x0;
	s20 =	sshll.u32 s6, $0x1;
	s6 =	sadd.s32 s21, s4  }
0x9e: {  	[timem:s8], [sflag:s22] =	dma.local [hbm:s6], s20  }
0x9f: {  	_ =	swait.ge [sflag:s22], s20  }
0xa0: {  	s5 =	ssub.s32 $0x0, s20;
	[sflag:s22] =	ssyncset.done $0x0  }
0xa1: {  	[sflag:s22] =	ssyncadd.s32 s5;
	_ =	sdelay $0x1  }
0xa2: {  	s23 =	simm.s32 $0x1B8B  }
0xa3: {  	_ =	swait.ge [sflag:s23], $0x1  }
0xa4: {  	[sflag:s23] =	ssyncset.done $0x0  }
0xa5: {  	s25 =	simm.s32 $0x1B8E;
	s24 =	sld [smem:$0x3FFE];
	[sflag:s23] =	ssyncadd.s32 $0xFFFFFFFF  }
0xa6: {  	s26 =	simm.s32 $execute0_lowered;
	[smem:$0x3FD2] =	sst s25  }
0xa7: {  	s6 =	sshll.u32 s26, $0x1;
	_ =	strace $0x80000046;
	[dreg:$0x1] =	wrdreg $0xFFFFFFFF  }
0xa8: {  	s28 =	simm.s32 $_size_execute0_lowered;
	s4 =	sadd.s32 s4, s6;
	[dreg:$0x0] =	wrdreg $0x0  }
0xa9: {  	s6 =	sshll.u32 s28, $0x1;
	[dreg:$0x2] =	wrdreg s4  }
0xaa: {  	[dreg:$0x3] =	wrdreg s6  }
0xab: {  	[dreg:$0x4] =	wrdreg $0xC0  }
0xac: {  	_ =	task [dreg:s8], $0x5FFFF  }
0xad: {  	[dreg:$0x1] =	wrdreg $0xFFFFFFFF  }
0xae: {  	[dreg:$0x0] =	wrdreg $0x60  }
0xaf: {  	[dreg:$0x2] =	wrdreg s18  }
0xb0: {  	[dreg:$0x3] =	wrdreg s2  }
0xb1: {  	[dreg:$0x4] =	wrdreg s24  }
0xb2: {  	[dreg:$0x5] =	wrdreg $0x84000  }
0xb3: {  	[dreg:$0x6] =	wrdreg $0x9  }
0xb4: {  	_ =	task.clear_ibuf [dreg:s8], $0x7FFFF;
	_ =	strace $0x90000046  }
0xb5: {  	s29 =	simm.s32 $0x9;
	_ =	strace $0x80000048  }
0xb6: {  	_ =	swait.ge [sflag:s29], $0x1  }
0xb7: {  	[sflag:s29] =	ssyncadd.s32 $0xFFFFFFFF  }
0xb8: {  	_ =	strace $0x90000048  }
0xb9: {  	_ =	sfence  }
0xba: {  	s30 =	sld [smem:$0x0];
	_ =	sdelay $0x2  }
0xbb: {  	s31 =	sshll.u32 s1, $0xD;
	s1 =	sshrl.u32 s1, $0x2  }
0xbc: {  	s3 =	sand.u32 $0x4000, s31;
	s1 =	sadd.s32 s1, s30  }
0xbd: {  	s0 =	sor.u32 s3, s0;
	s1 =	sshll.u32 s1, $0x11  }
0xbe: {  	s0 =	sor.u32 s1, s0  }
0xbf: {  	s0 =	sadd.s32 $0x8F2B, s0  }
0xc0: {  	[sflag:s0] =	ssyncadd.remote.s32 $0x1  }
0xc1: {  	_ =	sfence.sel $0xFFFF  }
0xc2: {  	[dreg:$0x0] =	wrdreg $0xFFFFFFFF;
	(pc) =	sbr.abs _section_cstart, $3  }
0xc3: {  	[dreg:$0x1] =	wrdreg $0xFFFFFFFF  }
0xc4: {  	_ =	task.clear_ibuf [dreg:s8], $0x2FFFF;
	_ =	strace $0x9FFFFFFF  }
0xc5: {  	(tm) =	ssettm $0x7FFFFFFF  }
tec
execute0_lowered:
.L_overlay_start_1:
0x0: {  	(tag) =	ssettag $0x1  }
0x1: {  	s1 =	rddreg [dreg:$0x0]  }
0x2: {  	s0 =	rddreg [dreg:$0x1]  }
0x3: {  	s5 =	rddreg [dreg:$0x2]  }
0x4: {  	s3 =	rddreg [dreg:$0x3]  }
0x5: {  	s2 =	srdreg.scid;
	s23 =	stileid.u32;
	s4 =	simm.s32 $0x0  }
0x6: {  	s20 =	simm.s32 $0x7;
	s22 =	simm.s32 $0x200;
	s7 =	smul.u32 $0x14000, s23  }
0x7: {  	s28 =	simm.s32 $0x6;
	s29 =	simm.s32 $0x0;
	s30 =	smul.u32 $0x50000, s23  }
0x8: {  	s8 =	sand.u32 $0x1, s2;
	[smem:$0x7FF] =	sst s4;
	s13 =	smul.u32 $0x4E, s23  }
0x9: {  	s6 =	smul.u32 $0x140000, s8;
	s9 =	sshll.u32 s8, $0x4;
	_ =	strace $0x80000047  }
0xa: {  	s10 =	ssub.s32 $0x2, s8;
	s12 =	smul.u32 $0x4E0, s8;
	s9 =	sor.u32 s23, s9  }
0xb: {  	s25 =	sshrl.u32 s10, $0x1;
	s31 =	sshrl.u32 s30, $0x2;
	s23 =	simm.s32 $0x300  }
0xc: {  	s6 =	sadd.s32 s7, s6;
	s24 =	smul.u32 $0x4E, s9;
	s11 =	smin.u32 s9, $0x4  }
0xd: {  	s18 =	ssub.s32 s10, s25;
	p0 =	slt.u32 s9, $0x4;
	s10 =	sadd.s32 s31, s3  }
0xe: {  	s25 =	simm.s32 $0x400;
	s6 =	sshrl.u32 s6, $0x3;
	s14 =	sor.u32 s12, s11  }
0xf: {  	s12 =	sadd.s32 $0x8000, s10;
	s18 =	smax.u32 s18, $0x1;
	s17 =	sadd.s32 s6, s5  }
0x10: {  	s26 =	sadd.s32 s11, s24;
	s5 =	simm.s32 $0x4F;
	s11 =	sadd.s32 $0x4000, s10  }
0x11: {  	s15 =	sadd.s32 s13, s14;
	s13 =	sadd.s32 $0xC000, s10;
	s14 =	sadd.s32 $0x10000, s10  }
.Ltmp0:
0x12: {  	s24 =	simm.s32 $0x80;
	s6 =	sshll.u32 s26, $0x5;
	(pc) =	sbr.rel .LBB2_1-.Ltmp0, $4  }
0x13: {  	s5 =	simm.s32 @!p0 $0x4E;
	s19 =	sshll.u32 s15, $0x5;
	s17 =	sadd.s32 $0x2800, s17  }
0x14: {  	s26 =	simm.s32 $0x4400;
	s6 =	sadd.s32 s0, s6;
	s15 =	sadd.s32 $0xFFFFFFFF, s5  }
0x15: {  	s16 =	sadd.s32 $0xFFFFFFFC, s5;
	s0 =	sadd.s32 s19, s0;
	s7 =	sadd.s32 $0x20, s6  }
0x16: {  	v0 =	vimm.f32 $0.0e+00;
	s8 =	sadd.s32 $0x40, s6;
	s9 =	sadd.s32 $0x60, s6;
	s19 =	sadd.s32 $0x80, s0  }
.LBB2_8:
0x17: {  	s0 =	stileid.u32;
	s29 =	sadd.s32 $0x1, s29  }
0x18: {  	[bflag:$0x0] =	sbarrier.arrive $0xFFFF;
	s0 =	sshll.u32 s0, $0x6;
	p0 =	sne.s32 s29, s18  }
.Ltmp1:
0x19: {  	s2 =	sshrl.u32 s10, $0x3;
	s0 =	sor.u32 $0x1C07, s0;
	(pc) =	sbr.rel @!p0 .LBB2_9-.Ltmp1, $4  }
0x1a: {  	[hbm:s17], [sflag:s0] =	dma.local [spmem:s2], $0x2800  }
0x1b: {  	_ =	swait.ge [sflag:s20], $0x2800  }
0x1c: {  	[sflag:s20] =	ssyncset.done $0x0  }
0x1d: {  	[sflag:s20] =	ssyncadd.s32 $0xFFFFD800  }
.LBB2_1:
0x1e: {  	[tilespmem:s4], [sflag:$0x7] =	stream.linear.gather [hbm4b:s6+s4], $0x100, $0x38;
	[tilespmem:$0x1C400] =	vst v63  }
0x1f: {  	_ =	swait.ge [sflag:s20], $0x100  }
0x20: {  	[sflag:s20] =	ssyncset.done $0x0  }
0x21: {  	s0 =	simm.s32 $0x100;
	[sflag:s20] =	ssyncadd.s32 $0xFFFFFF00  }
0x22: {  	[tilespmem:s0], [sflag:$0x2] =	stream.linear.gather [hbm4b:s7+s4], $0x100, $0x38;
	[tilespmem:$0x1C400] =	vst v63  }
0x23: {  	_ = 	snop  }
0x24: {  	[tilespmem:s22], [sflag:$0x3] =	stream.linear.gather [hbm4b:s8+s4], $0x100, $0x38;
	[tilespmem:$0x1C400] =	vst v63  }
0x25: {  	_ = 	snop  }
0x26: {  	[tilespmem:s23], [sflag:$0x4] =	stream.linear.gather [hbm4b:s9+s4], $0x100, $0x38;
	[tilespmem:$0x1C400] =	vst v63  }
0x27: {  	s30 =	simm.s32 $0x0;
	s31 =	simm.s32 $0x200  }
0x28: {  	[tilespmem:s25], [sflag:$0x5] =	stream.indirect.gather [hbm4b:s1+s24], $0x80, s4, s24, $0xb8;
	[tilespmem:$0x1C400] =	vst v63  }
.LBB2_2:
0x29: {  	p0 =	sne.s32 s31, $0xFE00;
	[tilespmem:s30+$0x4470] =	vst v0  }
0x2a: {  	[tilespmem:s30+$0x4400] =	vst v0  }
0x2b: {  	[tilespmem:s30+$0x4410] =	vst v0  }
.Ltmp2:
0x2c: {  	[tilespmem:s30+$0x4420] =	vst v0;
	(pc) =	sbr.rel @p0 .LBB2_2-.Ltmp2, $4  }
0x2d: {  	[tilespmem:s30+$0x4430] =	vst v0  }
0x2e: {  	[tilespmem:s30+$0x4440] =	vst v0  }
0x2f: {  	[tilespmem:s30+$0x4450] =	vst v0  }
0x30: {  	[tilespmem:s30+$0x4460] =	vst v0;
	s30 =	sshra.s32 s31, $0x2;
	s31 =	sadd.s32 $0x200, s31  }
0x31: {  	[tilespmem:s30+$0x4470] =	vst v0  }
0x32: {  	[tilespmem:s30+$0x4400] =	vst v0  }
0x33: {  	[tilespmem:s30+$0x4410] =	vst v0  }
0x34: {  	[tilespmem:s30+$0x4420] =	vst v0  }
0x35: {  	[tilespmem:s30+$0x4430] =	vst v0  }
0x36: {  	[tilespmem:s30+$0x4440] =	vst v0  }
0x37: {  	[tilespmem:s30+$0x4450] =	vst v0  }
0x38: {  	[tilespmem:s30+$0x4460] =	vst v0  }
0x39: {  	[spmem:s10] =	stream.linear.scatter [tilespmem:s26], [sflag:$0x6], $0x4000, $0x38;
	[tilespmem:$0x1C400] =	vst v63  }
0x3a: {  	_ = 	snop  }
0x3b: {  	[spmem:s11] =	stream.linear.scatter [tilespmem:s26], [sflag:$0x6], $0x4000, $0x38;
	[tilespmem:$0x1C400] =	vst v63  }
0x3c: {  	_ = 	snop  }
0x3d: {  	[spmem:s12] =	stream.linear.scatter [tilespmem:s26], [sflag:$0x6], $0x4000, $0x38;
	[tilespmem:$0x1C400] =	vst v63  }
0x3e: {  	_ = 	snop  }
0x3f: {  	[spmem:s13] =	stream.linear.scatter [tilespmem:s26], [sflag:$0x6], $0x4000, $0x38;
	[tilespmem:$0x1C400] =	vst v63  }
0x40: {  	_ = 	snop  }
0x41: {  	[spmem:s14] =	stream.linear.scatter [tilespmem:s26], [sflag:$0x6], $0x4000, $0x38;
	[tilespmem:$0x1C400] =	vst v63  }
0x42: {  	_ =	swait.ge [sflag:s28], $0x4000  }
0x43: {  	[sflag:s28] =	ssyncset.done $0x0  }
0x44: {  	[sflag:s28] =	ssyncadd.s32 $0xFFFFC000  }
0x45: {  	_ =	swait.ge [sflag:s28], $0x4000  }
0x46: {  	[sflag:s28] =	ssyncset.done $0x0  }
0x47: {  	[sflag:s28] =	ssyncadd.s32 $0xFFFFC000  }
0x48: {  	_ =	swait.ge [sflag:s28], $0x4000  }
0x49: {  	[sflag:s28] =	ssyncset.done $0x0  }
0x4a: {  	[sflag:s28] =	ssyncadd.s32 $0xFFFFC000  }
0x4b: {  	_ =	swait.ge [sflag:s28], $0x4000  }
0x4c: {  	[sflag:s28] =	ssyncset.done $0x0  }
0x4d: {  	[sflag:s28] =	ssyncadd.s32 $0xFFFFC000  }
.Ltmp3:
0x4e: {  	_ =	swait.ge [sflag:s28], $0x4000;
	(pc) =	sbr.rel .LBB2_4-.Ltmp3, $4  }
0x4f: {  	[sflag:s28] =	ssyncset.done $0x0  }
0x50: {  	[sflag:s28] =	ssyncadd.s32 $0xFFFFC000  }
0x51: {  	[bflag:$0x0] =	sbarrier.arrive $0xFFFF  }
0x52: {  	s30 =	simm.s32 $0x0;
	s31 =	smov.u32 s19  }
.LBB2_6:
0x53: {  	p0 =	seq.s32 s0, $0x2  }
0x54: {  	p1 =	sge.u32 @p0 s30, s15  }
0x55: {  	p1 =	por p1, !p0  }
0x56: {  	s0 =	simm.s32 @!p1 $0x4  }
0x57: {  	_ =	swait.ge @!p1 [sflag:s0], $0x100  }
0x58: {  	s2 =	simm.s32 @!p1 $0x300;
	[sflag:s0] =	ssyncset.done @!p1 $0x0  }
0x59: {  	s21 =	simm.s32 @!p1 $0x4400;
	[sflag:s0] =	ssyncadd.s32 @!p1 $0xFFFFFF00;
	s0 =	simm.s32 @!p1 $0x80  }
0x5a: {  	[tilespmem:s21], [sflag:$0x6] =	stream.indirect.gather @!p1 [hbm4b:s1+s0], $0x80, s2, s0, $0xb8;
	[tilespmem:$0x1C400] =	vst v63  }
0x5b: {  	s0 =	simm.s32 @p0 $0x5  }
0x5c: {  	_ =	swait.ge @p0 [sflag:s0], $0x4000  }
0x5d: {  	s2 =	simm.s32 @p0 $0x280;
	[sflag:s0] =	ssyncset.done @p0 $0x0  }
0x5e: {  	s21 =	simm.s32 @p0 $0x400;
	[sflag:s0] =	ssyncadd.s32 @p0 $0xFFFFC000;
	s0 =	simm.s32 @p0 $0x80  }
0x5f: {  	[spmem:s3] =	stream.indirect.scatter.add.f32 @p0 [tilespmem:s21], [sflag:$0x7], $0x80, s2, s0, $0xb8;
	[tilespmem:$0x1C400] =	vst v63  }
0x60: {  	s0 =	simm.s32 @p0 $0x7  }
0x61: {  	p1 =	sge.u32 @p0 s30, s16;
	_ =	swait.ge @p0 [sflag:s0], $0x4000  }
0x62: {  	p1 =	por p1, !p0;
	[sflag:s0] =	ssyncset.done @p0 $0x0  }
0x63: {  	s2 =	simm.s32 @!p1 $0x200;
	[sflag:s0] =	ssyncadd.s32 @p0 $0xFFFFC000;
	s0 =	simm.s32 @!p1 $0x0  }
0x64: {  	[tilespmem:s2], [sflag:$0x3] =	stream.linear.gather @!p1 [hbm4b:s31+s0], $0x100, $0x38;
	[tilespmem:$0x1C400] =	vst v63  }
0x65: {  	p1 =	sge.u32 @!p0 s30, s15  }
0x66: {  	p1 =	por p1, p0  }
0x67: {  	s0 =	simm.s32 @!p1 $0x1  }
0x68: {  	_ =	swait.ge @!p1 [sflag:s0], $0x100  }
0x69: {  	s2 =	simm.s32 @!p1 $0x0;
	[sflag:s0] =	ssyncset.done @!p1 $0x0  }
0x6a: {  	s21 =	simm.s32 @!p1 $0x400;
	[sflag:s0] =	ssyncadd.s32 @!p1 $0xFFFFFF00;
	s0 =	simm.s32 @!p1 $0x80  }
0x6b: {  	[tilespmem:s21], [sflag:$0x5] =	stream.indirect.gather @!p1 [hbm4b:s1+s0], $0x80, s2, s0, $0xb8;
	[tilespmem:$0x1C400] =	vst v63  }
0x6c: {  	s0 =	simm.s32 @!p0 $0x6  }
0x6d: {  	_ =	swait.ge @!p0 [sflag:s0], $0x4000  }
0x6e: {  	s2 =	simm.s32 @!p0 $0x380;
	[sflag:s0] =	ssyncset.done @!p0 $0x0  }
0x6f: {  	s21 =	simm.s32 @!p0 $0x4400;
	[sflag:s0] =	ssyncadd.s32 @!p0 $0xFFFFC000;
	s0 =	simm.s32 @!p0 $0x80  }
0x70: {  	[spmem:s3] =	stream.indirect.scatter.add.f32 @!p0 [tilespmem:s21], [sflag:$0x7], $0x80, s2, s0, $0xb8;
	[tilespmem:$0x1C400] =	vst v63  }
0x71: {  	s0 =	simm.s32 @!p0 $0x7  }
0x72: {  	p1 =	sge.u32 @!p0 s30, s16;
	_ =	swait.ge @!p0 [sflag:s0], $0x4000  }
0x73: {  	p1 =	por p1, p0;
	[sflag:s0] =	ssyncset.done @!p0 $0x0  }
0x74: {  	s2 =	simm.s32 @!p1 $0x300;
	[sflag:s0] =	ssyncadd.s32 @!p0 $0xFFFFC000;
	s0 =	simm.s32 @!p1 $0x0  }
0x75: {  	[tilespmem:s2], [sflag:$0x4] =	stream.linear.gather @!p1 [hbm4b:s31+s0], $0x100, $0x38;
	[tilespmem:$0x1C400] =	vst v63  }
.LBB2_7:
0x76: {  	s30 =	sadd.s32 $0x1, s30  }
0x77: {  	p0 =	sne.s32 s5, s30  }
.Ltmp4:
0x78: {  	_ = 	snop;
	(pc) =	sbr.rel @!p0 .LBB2_8-.Ltmp4, $2  }
0x79: {  	_ =	sdelay $0x2  }
0x7a: {  	s31 =	sadd.s32 $0x20, s31  }
.LBB2_4:
0x7b: {  	s0 =	sand.u32 $0x3, s30  }
0x7c: {  	p0 =	sgt.s32 s0, $0x1  }
.Ltmp5:
0x7d: {  	_ = 	snop;
	(pc) =	sbr.rel @p0 .LBB2_6-.Ltmp5, $1  }
0x7e: {  	_ =	sdelay $0x3  }
0x7f: {  	p0 =	seq.s32 s0, $0x0  }
0x80: {  	p1 =	sge.u32 @p0 s30, s15  }
0x81: {  	p1 =	por p1, !p0  }
0x82: {  	s0 =	simm.s32 @!p1 $0x2  }
0x83: {  	_ =	swait.ge @!p1 [sflag:s0], $0x100  }
0x84: {  	s2 =	simm.s32 @!p1 $0x100;
	[sflag:s0] =	ssyncset.done @!p1 $0x0  }
0x85: {  	s21 =	simm.s32 @!p1 $0x4400;
	[sflag:s0] =	ssyncadd.s32 @!p1 $0xFFFFFF00;
	s0 =	simm.s32 @!p1 $0x80  }
0x86: {  	[tilespmem:s21], [sflag:$0x6] =	stream.indirect.gather @!p1 [hbm4b:s1+s0], $0x80, s2, s0, $0xb8;
	[tilespmem:$0x1C400] =	vst v63  }
0x87: {  	s0 =	simm.s32 @p0 $0x5  }
0x88: {  	_ =	swait.ge @p0 [sflag:s0], $0x4000  }
0x89: {  	[sflag:s0] =	ssyncset.done @p0 $0x0  }
0x8a: {  	s2 =	simm.s32 @p0 $0x400;
	[sflag:s0] =	ssyncadd.s32 @p0 $0xFFFFC000;
	s0 =	simm.s32 @p0 $0x80  }
0x8b: {  	[spmem:s3] =	stream.indirect.scatter.add.f32 @p0 [tilespmem:s2], [sflag:$0x7], $0x80, s0, s0, $0xb8;
	[tilespmem:$0x1C400] =	vst v63  }
0x8c: {  	s0 =	simm.s32 @p0 $0x7  }
0x8d: {  	p1 =	sge.u32 @p0 s30, s16;
	_ =	swait.ge @p0 [sflag:s0], $0x4000  }
0x8e: {  	p1 =	por p1, !p0;
	[sflag:s0] =	ssyncset.done @p0 $0x0  }
0x8f: {  	[sflag:s0] =	ssyncadd.s32 @p0 $0xFFFFC000;
	s0 =	simm.s32 @!p1 $0x0  }
0x90: {  	[tilespmem:s0], [sflag:$0x1] =	stream.linear.gather @!p1 [hbm4b:s31+s0], $0x100, $0x38;
	[tilespmem:$0x1C400] =	vst v63  }
0x91: {  	p1 =	sge.u32 @!p0 s30, s15  }
0x92: {  	p1 =	por p1, p0  }
0x93: {  	s0 =	simm.s32 @!p1 $0x3  }
0x94: {  	_ =	swait.ge @!p1 [sflag:s0], $0x100  }
0x95: {  	s2 =	simm.s32 @!p1 $0x200;
	[sflag:s0] =	ssyncset.done @!p1 $0x0  }
0x96: {  	s21 =	simm.s32 @!p1 $0x400;
	[sflag:s0] =	ssyncadd.s32 @!p1 $0xFFFFFF00;
	s0 =	simm.s32 @!p1 $0x80  }
0x97: {  	[tilespmem:s21], [sflag:$0x5] =	stream.indirect.gather @!p1 [hbm4b:s1+s0], $0x80, s2, s0, $0xb8;
	[tilespmem:$0x1C400] =	vst v63  }
0x98: {  	s0 =	simm.s32 @!p0 $0x6  }
0x99: {  	_ =	swait.ge @!p0 [sflag:s0], $0x4000  }
0x9a: {  	s2 =	simm.s32 @!p0 $0x180;
	[sflag:s0] =	ssyncset.done @!p0 $0x0  }
0x9b: {  	s21 =	simm.s32 @!p0 $0x4400;
	[sflag:s0] =	ssyncadd.s32 @!p0 $0xFFFFC000;
	s0 =	simm.s32 @!p0 $0x80  }
0x9c: {  	[spmem:s3] =	stream.indirect.scatter.add.f32 @!p0 [tilespmem:s21], [sflag:$0x7], $0x80, s2, s0, $0xb8;
	[tilespmem:$0x1C400] =	vst v63  }
.Ltmp6:
0x9d: {  	s0 =	simm.s32 @!p0 $0x7;
	(pc) =	sbr.rel .LBB2_7-.Ltmp6, $4  }
0x9e: {  	p1 =	sge.u32 @!p0 s30, s16;
	_ =	swait.ge @!p0 [sflag:s0], $0x4000  }
0x9f: {  	p1 =	por p1, p0;
	[sflag:s0] =	ssyncset.done @!p0 $0x0  }
0xa0: {  	s2 =	simm.s32 @!p1 $0x100;
	[sflag:s0] =	ssyncadd.s32 @!p0 $0xFFFFC000;
	s0 =	simm.s32 @!p1 $0x0  }
0xa1: {  	[tilespmem:s2], [sflag:$0x2] =	stream.linear.gather @!p1 [hbm4b:s31+s0], $0x100, $0x38;
	[tilespmem:$0x1C400] =	vst v63  }
.LBB2_9:
0xa2: {  	_ =	sfence.sel $0x180000  }
0xa3: {  	[bflag:$0x0] =	sbarrier.arrive $0xFFFF  }
0xa4: {  	_ =	strace $0x90000047  }
0xa5: {  	s0 =	stileid.u32;
	[bflag:$0x2] =	sbarrier.arrive $0xFFFF  }
0xa6: {  	p0 =	sne.s32 s0, $0x0;
	s0 =	rddreg [dreg:$0x4]  }
0xa7: {  	s0 =	sadd.s32 @!p0 $0x100000, s0  }
0xa8: {  	[sflag:s0] =	ssyncadd.tile.s32 @!p0 $0x1;
	_ =	shalt  }
.Lfunc_end2:
_tile_overlayer_lowered:
.L_overlay_start_2:
0xa9: {  	(tag) =	ssettag $0x2  }
0xaa: {  	s0 =	rddreg [dreg:$0x0];
	s2 =	stileid.u32  }
0xab: {  	s1 =	rddreg [dreg:$0x1];
	p0 =	sne.s32 s2, $0x0  }
0xac: {  	s3 =	rddreg [dreg:$0x2];
	[bflag:$0x3] =	sbarrier.arrive $0xFFFF;
	s2 =	simm.s32 @!p0 $0x1C07  }
0xad: {  	[timem:s3], [sflag:s2] =	dma.local @!p0 [hbm:s0], s1  }
0xae: {  	s0 =	simm.s32 @!p0 $0x7  }
0xaf: {  	_ =	swait.ge @!p0 [sflag:s0], s1  }
0xb0: {  	s1 =	ssub.s32 @!p0 $0x0, s1;
	[sflag:s0] =	ssyncset.done @!p0 $0x0  }
0xb1: {  	[sflag:s0] =	ssyncadd.s32 @!p0 s1  }
0xb2: {  	[bflag:$0x3] =	sbarrier.arrive $0xFFFF  }
0xb3: {  	_ =	shalt  }

</sc_bundles>
